<compile_context>
chip_gen: v7x
topology: tpu7x:2x2x1
jax: 0.10.2.dev20260603
libtpu: 0.0.44.dev20260713+nightly
codegen_flags: <defaults>
</compile_context>

<pallas_src>
import functools

import jax
import jax.numpy as jnp
import numpy as np
from jax import lax
from jax.experimental import pallas as pl
from jax.experimental.pallas import tpu as pltpu
from jax.experimental.pallas import tpu_sc as plsc

_B = 4096
_L = 200
_D = 128
_CHUNK = 100
_NBUF = 4



def _pool_kernel_body(text_hbm, table_hbm, pooled_hbm, idx_v, buf_v, out_v,
                      *sems):
    nc = 2
    wid = lax.axis_index("s") * nc + lax.axis_index("c")
    n_samples = _B // 32
    n_chunks = n_samples * (_L // _CHUNK)

    pltpu.sync_copy(text_hbm.at[pl.ds(wid * n_chunks, n_chunks)], idx_v)

    def gather_start(chunk, b):
        pltpu.async_copy(table_hbm.at[idx_v.at[chunk, pl.ds(0, 48)]],
                         buf_v.at[b, pl.ds(0, 48)], sems[b])

    def gather_wait(chunk, b):
        pltpu.make_async_copy(
            table_hbm.at[idx_v.at[chunk, pl.ds(0, 48)]],
            buf_v.at[b, pl.ds(0, 48)], sems[b]).wait()

    def accum_chunk(bref):
        def body(r, accs):
            return tuple(a + bref[r, pl.ds(16 * v, 16)]
                         for v, a in enumerate(accs))
        init = tuple(jnp.zeros((16,), jnp.float32) for _ in range(_D // 16))
        return lax.fori_loop(0, _CHUNK, body, init, unroll=4)

    for b in range(_NBUF):
        gather_start(b, b)

    def outer(g, carry):
        for half in range(2):
            s = 2 * g + half
            accs = None
            for j in range(2):
                b = 2 * half + j
                chunk = _NBUF * g + b
                gather_wait(chunk, b)
                a = accum_chunk(buf_v.at[b])
                accs = a if accs is None else tuple(
                    x + y for x, y in zip(accs, a))
                nxt = chunk + _NBUF

                @pl.when(nxt < n_chunks)
                def _():
                    gather_start(nxt, b)
            for v in range(_D // 16):
                out_v[s, pl.ds(16 * v, 16)] = accs[v]
        return carry

    lax.fori_loop(0, n_chunks // _NBUF, outer, 0)
    pltpu.sync_copy(out_v, pooled_hbm.at[pl.ds(wid * n_samples, n_samples)])


def _make_pool_kernel():
    mesh = plsc.VectorSubcoreMesh(core_axis_name="c", subcore_axis_name="s")
    n_samples = _B // 32
    n_chunks = n_samples * (_L // _CHUNK)
    return pl.kernel(
        _pool_kernel_body,
        out_type=jax.ShapeDtypeStruct((_B, _D), jnp.float32),
        mesh=mesh,
        scratch_types=[
            pltpu.VMEM((n_chunks, _CHUNK), jnp.int32),
            pltpu.VMEM((_NBUF, _CHUNK, _D), jnp.float32),
            pltpu.VMEM((n_samples, _D), jnp.float32),
        ] + [pltpu.SemaphoreType.DMA] * _NBUF,
    )


def _mlp_body(p_ref, a_ref, b1_ref, w2_ref, b2_ref, o_ref):
    h = jnp.dot(p_ref[...], a_ref[...], preferred_element_type=jnp.float32)
    h = jnp.maximum(h + b1_ref[...], 0.0)
    o_ref[...] = (jnp.dot(h, w2_ref[...], preferred_element_type=jnp.float32)
                  + b2_ref[...])


def kernel(text, table, W1, b1, W2, b2):
    text_flat = text.reshape(_B * (_L // _CHUNK), _CHUNK)
    pooled = _make_pool_kernel()(text_flat, table)
    a = W1.T * (1.0 / _L)
    out = pl.pallas_call(
        _mlp_body,
        out_shape=jax.ShapeDtypeStruct((_B, W2.shape[0]), jnp.float32),
    )(pooled, a, b1.reshape(1, -1), W2.T, b2.reshape(1, -1))
    return out

# --- scband reference (transcript-rebuilt; emitter-appended) ---
"""Pipeline reference for scband-simple-model-38654705664871 (READ-ONLY COPY).

The authoritative reference and input builder live on the scoring server;
editing this copy changes nothing except your own understanding.
"""

import jax, jax.numpy as jnp
import numpy as np

VOCAB = 100000
EMBED_DIM = 128
NUM_CLASSES = 2
HIDDEN = 128
B = 4096
L = 200

def setup_inputs(seed: int = 0) -> dict:
    key = jax.random.key(seed)
    k_text, k_emb, k_w1, k_b1, k_w2, k_b2 = jax.random.split(key, 6)
    text = jax.random.randint(k_text, (B, L), 0, VOCAB, dtype=jnp.int64 if jax.config.jax_enable_x64 else jnp.int32).astype(jnp.int32)
    # embedding table (nn.Embedding default init: N(0,1))
    table = jax.random.normal(k_emb, (VOCAB, EMBED_DIM), dtype=jnp.float32)
    # fc1: Linear(EMBED_DIM, HIDDEN), torch layout weight [out, in]
    lim1 = 1.0 / np.sqrt(EMBED_DIM)
    W1 = jax.random.uniform(k_w1, (HIDDEN, EMBED_DIM), minval=-lim1, maxval=lim1, dtype=jnp.float32)
    b1 = jax.random.uniform(k_b1, (HIDDEN,), minval=-lim1, maxval=lim1, dtype=jnp.float32)
    # fc2: Linear(HIDDEN, NUM_CLASSES)
    lim2 = 1.0 / np.sqrt(HIDDEN)
    W2 = jax.random.uniform(k_w2, (NUM_CLASSES, HIDDEN), minval=-lim2, maxval=lim2, dtype=jnp.float32)
    b2 = jax.random.uniform(k_b2, (NUM_CLASSES,), minval=-lim2, maxval=lim2, dtype=jnp.float32)
    return {"text": text, "table": table, "W1": W1, "b1": b1, "W2": W2, "b2": b2}

def reference(text, table, W1, b1, W2, b2):
    # embedding lookup -> [B, L, D]
    embedded = jnp.take(table, text, axis=0)
    # F.avg_pool2d(embedded, (L, 1)).squeeze(1) == mean over sequence dim
    pooled = jnp.mean(embedded, axis=1)  # [B, D]
    h = jax.nn.relu(pooled @ W1.T + b1)  # [B, HIDDEN]
    out = h @ W2.T + b2                  # [B, NUM_CLASSES]
    return out

if __name__ == "__main__":
    import jax
    _d = setup_inputs()
    print(jax.jit(kernel)(*tuple(_d.values())))

</pallas_src>

<mosaic_0001>
#map = affine_map<(d0, d1) -> (0, 0)>
module attributes {stable_mosaic.version = 14 : i64} {
  func.func @_pool_kernel_body(%arg0: i32, %arg1: i32, %arg2: memref<8192x100xi32, #tpu.memory_space<hbm>>, %arg3: memref<100000x128xf32, #tpu.memory_space<hbm>>, %arg4: memref<4096x128xf32, #tpu.memory_space<hbm>>, %arg5: memref<256x100xi32, #tpu.memory_space<vmem>>, %arg6: memref<4x100x128xf32, #tpu.memory_space<vmem>>, %arg7: memref<128x128xf32, #tpu.memory_space<vmem>>, %arg8: memref<!tpu.dma_semaphore, #tpu.memory_space<semaphore_mem>>, %arg9: memref<!tpu.dma_semaphore, #tpu.memory_space<semaphore_mem>>, %arg10: memref<!tpu.dma_semaphore, #tpu.memory_space<semaphore_mem>>, %arg11: memref<!tpu.dma_semaphore, #tpu.memory_space<semaphore_mem>>) attributes {dimension_semantics = [#tpu.dimension_semantics<core_parallel>, #tpu.dimension_semantics<subcore_parallel>], iteration_bounds = array<i64: 2, 16>, scalar_prefetch = 0 : i64, scratch_operands = 7 : i64, tpu.core_type = #tpu.core_type<sc_vector_subcore>, window_params = [{transform_indices = #map}, {transform_indices = #map}, {transform_indices = #map}]} {
    %mul3A = arith.constant 2 : i32
    %mul3A_0 = arith.muli %arg1, %mul3A : i32
    %add3A = arith.addi %mul3A_0, %arg0 : i32
    %mul3A_1 = arith.constant 256 : i32
    %mul3A_2 = arith.muli %add3A, %mul3A_1 : i32
    "tpu.region"() ({
      %run_scoped3A = tpu.sem_alloc : memref<!tpu.dma_semaphore, #tpu.memory_space<semaphore_mem>>
      %dma_start3A_57 = arith.constant 0 : i32
      %dma_start3A_58 = tpu.memref_slice %arg2[%mul3A_2, %dma_start3A_57] : memref<8192x100xi32, #tpu.memory_space<hbm>> -> memref<256x100xi32, #tpu.memory_space<hbm>>
      %dma_start3A_59 = arith.constant 0 : i32
      %dma_start3A_60 = tpu.memref_slice %arg2[%mul3A_2, %dma_start3A_59] : memref<8192x100xi32, #tpu.memory_space<hbm>> -> memref<256x100xi32, #tpu.memory_space<hbm>>
      tpu.enqueue_dma source(%dma_start3A_60 : memref<256x100xi32, #tpu.memory_space<hbm>>) target(%arg5 : memref<256x100xi32, #tpu.memory_space<vmem>>) target_semaphore(%run_scoped3A : memref<!tpu.dma_semaphore, #tpu.memory_space<semaphore_mem>>)
      %dma_wait3A = arith.constant 0 : i32
      %dma_wait3A_61 = tpu.memref_slice %arg2[%mul3A_2, %dma_wait3A] : memref<8192x100xi32, #tpu.memory_space<hbm>> -> memref<256x100xi32, #tpu.memory_space<hbm>>
      %dma_wait3A_62 = arith.constant 0 : i32
      %dma_wait3A_63 = tpu.memref_slice %arg2[%mul3A_2, %dma_wait3A_62] : memref<8192x100xi32, #tpu.memory_space<hbm>> -> memref<256x100xi32, #tpu.memory_space<hbm>>
      tpu.wait_dma2 semaphore(%run_scoped3A : memref<!tpu.dma_semaphore, #tpu.memory_space<semaphore_mem>>) src(%dma_wait3A_63 : memref<256x100xi32, #tpu.memory_space<hbm>>) dst(%arg5 : memref<256x100xi32, #tpu.memory_space<vmem>>)
      tpu.yield
    }) : () -> ()
    %dma_start3A = arith.constant 0 : i32
    %dma_start3A_3 = arith.constant 0 : i32
    %dma_start3A_4 = arith.constant 0 : i32
    %dma_start3A_5 = arith.constant 0 : i32
    %dma_start3A_6 = tpu.memref_slice %arg6[%dma_start3A_3, %dma_start3A_4, %dma_start3A_5] : memref<4x100x128xf32, #tpu.memory_space<vmem>> -> memref<1x48x128xf32, #tpu.memory_space<vmem>>
    %dma_start3A_7 = tpu.memref_squeeze %dma_start3A_6 : memref<1x48x128xf32, #tpu.memory_space<vmem>> -> memref<48x128xf32, #tpu.memory_space<vmem>>
    %dma_start3A_8 = arith.constant 0 : i32
    %dma_start3A_9 = tpu.memref_slice %arg5[%dma_start3A, %dma_start3A_8] : memref<256x100xi32, #tpu.memory_space<vmem>> -> memref<1x48xi32, #tpu.memory_space<vmem>>
    %dma_start3A_10 = tpu.memref_squeeze %dma_start3A_9 : memref<1x48xi32, #tpu.memory_space<vmem>> -> memref<48xi32, #tpu.memory_space<vmem>>
    %dma_start3A_11 = arith.constant 0 : i32
    %dma_start3A_12 = arith.constant 0 : i32
    %dma_start3A_13 = tpu.memref_slice %arg3[%dma_start3A_11, %dma_start3A_12] : memref<100000x128xf32, #tpu.memory_space<hbm>> -> memref<100000x128xf32, #tpu.memory_space<hbm>>
    tpu.enqueue_indirect_dma source(%dma_start3A_13 : memref<100000x128xf32, #tpu.memory_space<hbm>>) target(%dma_start3A_7 : memref<48x128xf32, #tpu.memory_space<vmem>>) offsets(%dma_start3A_10 : memref<48xi32, #tpu.memory_space<vmem>>) semaphore(%arg8 : memref<!tpu.dma_semaphore, #tpu.memory_space<semaphore_mem>>)
    %dma_start3A_14 = arith.constant 1 : i32
    %dma_start3A_15 = arith.constant 1 : i32
    %dma_start3A_16 = arith.constant 0 : i32
    %dma_start3A_17 = arith.constant 0 : i32
    %dma_start3A_18 = tpu.memref_slice %arg6[%dma_start3A_15, %dma_start3A_16, %dma_start3A_17] : memref<4x100x128xf32, #tpu.memory_space<vmem>> -> memref<1x48x128xf32, #tpu.memory_space<vmem>>
    %dma_start3A_19 = tpu.memref_squeeze %dma_start3A_18 : memref<1x48x128xf32, #tpu.memory_space<vmem>> -> memref<48x128xf32, #tpu.memory_space<vmem>>
    %dma_start3A_20 = arith.constant 0 : i32
    %dma_start3A_21 = tpu.memref_slice %arg5[%dma_start3A_14, %dma_start3A_20] : memref<256x100xi32, #tpu.memory_space<vmem>> -> memref<1x48xi32, #tpu.memory_space<vmem>>
    %dma_start3A_22 = tpu.memref_squeeze %dma_start3A_21 : memref<1x48xi32, #tpu.memory_space<vmem>> -> memref<48xi32, #tpu.memory_space<vmem>>
    %dma_start3A_23 = arith.constant 0 : i32
    %dma_start3A_24 = arith.constant 0 : i32
    %dma_start3A_25 = tpu.memref_slice %arg3[%dma_start3A_23, %dma_start3A_24] : memref<100000x128xf32, #tpu.memory_space<hbm>> -> memref<100000x128xf32, #tpu.memory_space<hbm>>
    tpu.enqueue_indirect_dma source(%dma_start3A_25 : memref<100000x128xf32, #tpu.memory_space<hbm>>) target(%dma_start3A_19 : memref<48x128xf32, #tpu.memory_space<vmem>>) offsets(%dma_start3A_22 : memref<48xi32, #tpu.memory_space<vmem>>) semaphore(%arg9 : memref<!tpu.dma_semaphore, #tpu.memory_space<semaphore_mem>>)
    %dma_start3A_26 = arith.constant 2 : i32
    %dma_start3A_27 = arith.constant 2 : i32
    %dma_start3A_28 = arith.constant 0 : i32
    %dma_start3A_29 = arith.constant 0 : i32
    %dma_start3A_30 = tpu.memref_slice %arg6[%dma_start3A_27, %dma_start3A_28, %dma_start3A_29] : memref<4x100x128xf32, #tpu.memory_space<vmem>> -> memref<1x48x128xf32, #tpu.memory_space<vmem>>
    %dma_start3A_31 = tpu.memref_squeeze %dma_start3A_30 : memref<1x48x128xf32, #tpu.memory_space<vmem>> -> memref<48x128xf32, #tpu.memory_space<vmem>>
    %dma_start3A_32 = arith.constant 0 : i32
    %dma_start3A_33 = tpu.memref_slice %arg5[%dma_start3A_26, %dma_start3A_32] : memref<256x100xi32, #tpu.memory_space<vmem>> -> memref<1x48xi32, #tpu.memory_space<vmem>>
    %dma_start3A_34 = tpu.memref_squeeze %dma_start3A_33 : memref<1x48xi32, #tpu.memory_space<vmem>> -> memref<48xi32, #tpu.memory_space<vmem>>
    %dma_start3A_35 = arith.constant 0 : i32
    %dma_start3A_36 = arith.constant 0 : i32
    %dma_start3A_37 = tpu.memref_slice %arg3[%dma_start3A_35, %dma_start3A_36] : memref<100000x128xf32, #tpu.memory_space<hbm>> -> memref<100000x128xf32, #tpu.memory_space<hbm>>
    tpu.enqueue_indirect_dma source(%dma_start3A_37 : memref<100000x128xf32, #tpu.memory_space<hbm>>) target(%dma_start3A_31 : memref<48x128xf32, #tpu.memory_space<vmem>>) offsets(%dma_start3A_34 : memref<48xi32, #tpu.memory_space<vmem>>) semaphore(%arg10 : memref<!tpu.dma_semaphore, #tpu.memory_space<semaphore_mem>>)
    %dma_start3A_38 = arith.constant 3 : i32
    %dma_start3A_39 = arith.constant 3 : i32
    %dma_start3A_40 = arith.constant 0 : i32
    %dma_start3A_41 = arith.constant 0 : i32
    %dma_start3A_42 = tpu.memref_slice %arg6[%dma_start3A_39, %dma_start3A_40, %dma_start3A_41] : memref<4x100x128xf32, #tpu.memory_space<vmem>> -> memref<1x48x128xf32, #tpu.memory_space<vmem>>
    %dma_start3A_43 = tpu.memref_squeeze %dma_start3A_42 : memref<1x48x128xf32, #tpu.memory_space<vmem>> -> memref<48x128xf32, #tpu.memory_space<vmem>>
    %dma_start3A_44 = arith.constant 0 : i32
    %dma_start3A_45 = tpu.memref_slice %arg5[%dma_start3A_38, %dma_start3A_44] : memref<256x100xi32, #tpu.memory_space<vmem>> -> memref<1x48xi32, #tpu.memory_space<vmem>>
    %dma_start3A_46 = tpu.memref_squeeze %dma_start3A_45 : memref<1x48xi32, #tpu.memory_space<vmem>> -> memref<48xi32, #tpu.memory_space<vmem>>
    %dma_start3A_47 = arith.constant 0 : i32
    %dma_start3A_48 = arith.constant 0 : i32
    %dma_start3A_49 = tpu.memref_slice %arg3[%dma_start3A_47, %dma_start3A_48] : memref<100000x128xf32, #tpu.memory_space<hbm>> -> memref<100000x128xf32, #tpu.memory_space<hbm>>
    tpu.enqueue_indirect_dma source(%dma_start3A_49 : memref<100000x128xf32, #tpu.memory_space<hbm>>) target(%dma_start3A_43 : memref<48x128xf32, #tpu.memory_space<vmem>>) offsets(%dma_start3A_46 : memref<48xi32, #tpu.memory_space<vmem>>) semaphore(%arg11 : memref<!tpu.dma_semaphore, #tpu.memory_space<semaphore_mem>>)
    %scan3A = arith.constant 0 : i32
    %scan3A_50 = arith.constant 0 : i32
    %scan3A_51 = arith.constant 64 : i32
    %scan3A_52 = arith.addi %scan3A_50, %scan3A_51 : i32
    %scan3A_53 = arith.constant 1 : i32
    scf.for %scan3A_57 = %scan3A_50 to %scan3A_52 step %scan3A_53  : i32 {
      %mul3A_58 = arith.constant 2 : i32
      %mul3A_59 = arith.muli %mul3A_58, %scan3A_57 : i32
      %add3A_60 = arith.constant 0 : i32
      %add3A_61 = arith.addi %mul3A_59, %add3A_60 : i32
      %mul3A_62 = arith.constant 4 : i32
      %mul3A_63 = arith.muli %mul3A_62, %scan3A_57 : i32
      %add3A_64 = arith.constant 0 : i32
      %add3A_65 = arith.addi %mul3A_63, %add3A_64 : i32
      %dma_wait3A = arith.constant 0 : i32
      %dma_wait3A_66 = arith.constant 0 : i32
      %dma_wait3A_67 = arith.constant 0 : i32
      %dma_wait3A_68 = tpu.memref_slice %arg6[%dma_wait3A, %dma_wait3A_66, %dma_wait3A_67] : memref<4x100x128xf32, #tpu.memory_space<vmem>> -> memref<1x48x128xf32, #tpu.memory_space<vmem>>
      %dma_wait3A_69 = tpu.memref_squeeze %dma_wait3A_68 : memref<1x48x128xf32, #tpu.memory_space<vmem>> -> memref<48x128xf32, #tpu.memory_space<vmem>>
      %dma_wait3A_70 = arith.constant 0 : i32
      %dma_wait3A_71 = tpu.memref_slice %arg5[%add3A_65, %dma_wait3A_70] : memref<256x100xi32, #tpu.memory_space<vmem>> -> memref<1x48xi32, #tpu.memory_space<vmem>>
      %dma_wait3A_72 = tpu.memref_squeeze %dma_wait3A_71 : memref<1x48xi32, #tpu.memory_space<vmem>> -> memref<48xi32, #tpu.memory_space<vmem>>
      %dma_wait3A_73 = arith.constant 0 : i32
      %dma_wait3A_74 = arith.constant 0 : i32
      %dma_wait3A_75 = tpu.memref_slice %arg3[%dma_wait3A_73, %dma_wait3A_74] : memref<100000x128xf32, #tpu.memory_space<hbm>> -> memref<100000x128xf32, #tpu.memory_space<hbm>>
      tpu.wait_indirect_dma semaphore(%arg8 : memref<!tpu.dma_semaphore, #tpu.memory_space<semaphore_mem>>) src(%dma_wait3A_75 : memref<100000x128xf32, #tpu.memory_space<hbm>>) dst(%dma_wait3A_69 : memref<48x128xf32, #tpu.memory_space<vmem>>)
      %broadcast_in_dim3A = arith.constant 0.000000e+00 : f32
      %broadcast_in_dim3A_76 = vector.broadcast %broadcast_in_dim3A : f32 to vector<16xf32>
      %broadcast_in_dim3A_77 = arith.constant 0.000000e+00 : f32
      %broadcast_in_dim3A_78 = vector.broadcast %broadcast_in_dim3A_77 : f32 to vector<16xf32>
      %broadcast_in_dim3A_79 = arith.constant 0.000000e+00 : f32
      %broadcast_in_dim3A_80 = vector.broadcast %broadcast_in_dim3A_79 : f32 to vector<16xf32>
      %broadcast_in_dim3A_81 = arith.constant 0.000000e+00 : f32
      %broadcast_in_dim3A_82 = vector.broadcast %broadcast_in_dim3A_81 : f32 to vector<16xf32>
      %broadcast_in_dim3A_83 = arith.constant 0.000000e+00 : f32
      %broadcast_in_dim3A_84 = vector.broadcast %broadcast_in_dim3A_83 : f32 to vector<16xf32>
      %broadcast_in_dim3A_85 = arith.constant 0.000000e+00 : f32
      %broadcast_in_dim3A_86 = vector.broadcast %broadcast_in_dim3A_85 : f32 to vector<16xf32>
      %broadcast_in_dim3A_87 = arith.constant 0.000000e+00 : f32
      %broadcast_in_dim3A_88 = vector.broadcast %broadcast_in_dim3A_87 : f32 to vector<16xf32>
      %broadcast_in_dim3A_89 = arith.constant 0.000000e+00 : f32
      %broadcast_in_dim3A_90 = vector.broadcast %broadcast_in_dim3A_89 : f32 to vector<16xf32>
      %scan3A_91 = arith.constant 0 : i32
      %scan3A_92 = arith.constant 0 : i32
      %scan3A_93 = arith.constant 100 : i32
      %scan3A_94 = arith.addi %scan3A_92, %scan3A_93 : i32
      %scan3A_95 = arith.constant 4 : i32
      %scan3A_96:8 = scf.for %scan3A_336 = %scan3A_92 to %scan3A_94 step %scan3A_95 iter_args(%scan3A_337 = %broadcast_in_dim3A_76, %scan3A_338 = %broadcast_in_dim3A_78, %scan3A_339 = %broadcast_in_dim3A_80, %scan3A_340 = %broadcast_in_dim3A_82, %scan3A_341 = %broadcast_in_dim3A_84, %scan3A_342 = %broadcast_in_dim3A_86, %scan3A_343 = %broadcast_in_dim3A_88, %scan3A_344 = %broadcast_in_dim3A_90) -> (vector<16xf32>, vector<16xf32>, vector<16xf32>, vector<16xf32>, vector<16xf32>, vector<16xf32>, vector<16xf32>, vector<16xf32>)  : i32 {
        %get3A = arith.constant 0 : i32
        %get3A_345 = arith.constant 0 : i32
        %get3A_346 = tpu.memref_slice %arg6[%scan3A_91, %get3A, %get3A_345] : memref<4x100x128xf32, #tpu.memory_space<vmem>> -> memref<1x100x128xf32, #tpu.memory_space<vmem>>
        %get3A_347 = tpu.memref_squeeze %get3A_346 : memref<1x100x128xf32, #tpu.memory_space<vmem>> -> memref<100x128xf32, #tpu.memory_space<vmem>>
        %get3A_348 = arith.index_cast %scan3A_336 : i32 to index
        %get3A_349 = arith.constant 0 : index
        %get3A_350 = tpu.vector_load %get3A_347[%get3A_348, %get3A_349] {strides = array<i32>} : memref<100x128xf32, #tpu.memory_space<vmem>>, vector<1x16xf32>,
        %get3A_351 = vector.shape_cast %get3A_350 : vector<1x16xf32> to vector<16xf32>
        %add3A_352 = arith.addf %scan3A_337, %get3A_351 : vector<16xf32>
        %get3A_353 = arith.constant 0 : i32
        %get3A_354 = arith.constant 0 : i32
        %get3A_355 = tpu.memref_slice %arg6[%scan3A_91, %get3A_353, %get3A_354] : memref<4x100x128xf32, #tpu.memory_space<vmem>> -> memref<1x100x128xf32, #tpu.memory_space<vmem>>
        %get3A_356 = tpu.memref_squeeze %get3A_355 : memref<1x100x128xf32, #tpu.memory_space<vmem>> -> memref<100x128xf32, #tpu.memory_space<vmem>>
        %get3A_357 = arith.index_cast %scan3A_336 : i32 to index
        %get3A_358 = arith.constant 16 : index
        %get3A_359 = tpu.vector_load %get3A_356[%get3A_357, %get3A_358] {strides = array<i32>} : memref<100x128xf32, #tpu.memory_space<vmem>>, vector<1x16xf32>,
        %get3A_360 = vector.shape_cast %get3A_359 : vector<1x16xf32> to vector<16xf32>
        %add3A_361 = arith.addf %scan3A_338, %get3A_360 : vector<16xf32>
        %get3A_362 = arith.constant 0 : i32
        %get3A_363 = arith.constant 0 : i32
        %get3A_364 = tpu.memref_slice %arg6[%scan3A_91, %get3A_362, %get3A_363] : memref<4x100x128xf32, #tpu.memory_space<vmem>> -> memref<1x100x128xf32, #tpu.memory_space<vmem>>
        %get3A_365 = tpu.memref_squeeze %get3A_364 : memref<1x100x128xf32, #tpu.memory_space<vmem>> -> memref<100x128xf32, #tpu.memory_space<vmem>>
        %get3A_366 = arith.index_cast %scan3A_336 : i32 to index
        %get3A_367 = arith.constant 32 : index
        %get3A_368 = tpu.vector_load %get3A_365[%get3A_366, %get3A_367] {strides = array<i32>} : memref<100x128xf32, #tpu.memory_space<vmem>>, vector<1x16xf32>,
        %get3A_369 = vector.shape_cast %get3A_368 : vector<1x16xf32> to vector<16xf32>
        %add3A_370 = arith.addf %scan3A_339, %get3A_369 : vector<16xf32>
        %get3A_371 = arith.constant 0 : i32
        %get3A_372 = arith.constant 0 : i32
        %get3A_373 = tpu.memref_slice %arg6[%scan3A_91, %get3A_371, %get3A_372] : memref<4x100x128xf32, #tpu.memory_space<vmem>> -> memref<1x100x128xf32, #tpu.memory_space<vmem>>
        %get3A_374 = tpu.memref_squeeze %get3A_373 : memref<1x100x128xf32, #tpu.memory_space<vmem>> -> memref<100x128xf32, #tpu.memory_space<vmem>>
        %get3A_375 = arith.index_cast %scan3A_336 : i32 to index
        %get3A_376 = arith.constant 48 : index
        %get3A_377 = tpu.vector_load %get3A_374[%get3A_375, %get3A_376] {strides = array<i32>} : memref<100x128xf32, #tpu.memory_space<vmem>>, vector<1x16xf32>,
        %get3A_378 = vector.shape_cast %get3A_377 : vector<1x16xf32> to vector<16xf32>
        %add3A_379 = arith.addf %scan3A_340, %get3A_378 : vector<16xf32>
        %get3A_380 = arith.constant 0 : i32
        %get3A_381 = arith.constant 0 : i32
        %get3A_382 = tpu.memref_slice %arg6[%scan3A_91, %get3A_380, %get3A_381] : memref<4x100x128xf32, #tpu.memory_space<vmem>> -> memref<1x100x128xf32, #tpu.memory_space<vmem>>
        %get3A_383 = tpu.memref_squeeze %get3A_382 : memref<1x100x128xf32, #tpu.memory_space<vmem>> -> memref<100x128xf32, #tpu.memory_space<vmem>>
        %get3A_384 = arith.index_cast %scan3A_336 : i32 to index
        %get3A_385 = arith.constant 64 : index
        %get3A_386 = tpu.vector_load %get3A_383[%get3A_384, %get3A_385] {strides = array<i32>} : memref<100x128xf32, #tpu.memory_space<vmem>>, vector<1x16xf32>,
        %get3A_387 = vector.shape_cast %get3A_386 : vector<1x16xf32> to vector<16xf32>
        %add3A_388 = arith.addf %scan3A_341, %get3A_387 : vector<16xf32>
        %get3A_389 = arith.constant 0 : i32
        %get3A_390 = arith.constant 0 : i32
        %get3A_391 = tpu.memref_slice %arg6[%scan3A_91, %get3A_389, %get3A_390] : memref<4x100x128xf32, #tpu.memory_space<vmem>> -> memref<1x100x128xf32, #tpu.memory_space<vmem>>
        %get3A_392 = tpu.memref_squeeze %get3A_391 : memref<1x100x128xf32, #tpu.memory_space<vmem>> -> memref<100x128xf32, #tpu.memory_space<vmem>>
        %get3A_393 = arith.index_cast %scan3A_336 : i32 to index
        %get3A_394 = arith.constant 80 : index
        %get3A_395 = tpu.vector_load %get3A_392[%get3A_393, %get3A_394] {strides = array<i32>} : memref<100x128xf32, #tpu.memory_space<vmem>>, vector<1x16xf32>,
        %get3A_396 = vector.shape_cast %get3A_395 : vector<1x16xf32> to vector<16xf32>
        %add3A_397 = arith.addf %scan3A_342, %get3A_396 : vector<16xf32>
        %get3A_398 = arith.constant 0 : i32
        %get3A_399 = arith.constant 0 : i32
        %get3A_400 = tpu.memref_slice %arg6[%scan3A_91, %get3A_398, %get3A_399] : memref<4x100x128xf32, #tpu.memory_space<vmem>> -> memref<1x100x128xf32, #tpu.memory_space<vmem>>
        %get3A_401 = tpu.memref_squeeze %get3A_400 : memref<1x100x128xf32, #tpu.memory_space<vmem>> -> memref<100x128xf32, #tpu.memory_space<vmem>>
        %get3A_402 = arith.index_cast %scan3A_336 : i32 to index
        %get3A_403 = arith.constant 96 : index
        %get3A_404 = tpu.vector_load %get3A_401[%get3A_402, %get3A_403] {strides = array<i32>} : memref<100x128xf32, #tpu.memory_space<vmem>>, vector<1x16xf32>,
        %get3A_405 = vector.shape_cast %get3A_404 : vector<1x16xf32> to vector<16xf32>
        %add3A_406 = arith.addf %scan3A_343, %get3A_405 : vector<16xf32>
        %get3A_407 = arith.constant 0 : i32
        %get3A_408 = arith.constant 0 : i32
        %get3A_409 = tpu.memref_slice %arg6[%scan3A_91, %get3A_407, %get3A_408] : memref<4x100x128xf32, #tpu.memory_space<vmem>> -> memref<1x100x128xf32, #tpu.memory_space<vmem>>
        %get3A_410 = tpu.memref_squeeze %get3A_409 : memref<1x100x128xf32, #tpu.memory_space<vmem>> -> memref<100x128xf32, #tpu.memory_space<vmem>>
        %get3A_411 = arith.index_cast %scan3A_336 : i32 to index
        %get3A_412 = arith.constant 112 : index
        %get3A_413 = tpu.vector_load %get3A_410[%get3A_411, %get3A_412] {strides = array<i32>} : memref<100x128xf32, #tpu.memory_space<vmem>>, vector<1x16xf32>,
        %get3A_414 = vector.shape_cast %get3A_413 : vector<1x16xf32> to vector<16xf32>
        %add3A_415 = arith.addf %scan3A_344, %get3A_414 : vector<16xf32>
        %scan3A_416 = arith.constant 1 : i32
        %scan3A_417 = arith.addi %scan3A_336, %scan3A_416 : i32
        %get3A_418 = arith.constant 0 : i32
        %get3A_419 = arith.constant 0 : i32
        %get3A_420 = tpu.memref_slice %arg6[%scan3A_91, %get3A_418, %get3A_419] : memref<4x100x128xf32, #tpu.memory_space<vmem>> -> memref<1x100x128xf32, #tpu.memory_space<vmem>>
        %get3A_421 = tpu.memref_squeeze %get3A_420 : memref<1x100x128xf32, #tpu.memory_space<vmem>> -> memref<100x128xf32, #tpu.memory_space<vmem>>
        %get3A_422 = arith.index_cast %scan3A_417 : i32 to index
        %get3A_423 = arith.constant 0 : index
        %get3A_424 = tpu.vector_load %get3A_421[%get3A_422, %get3A_423] {strides = array<i32>} : memref<100x128xf32, #tpu.memory_space<vmem>>, vector<1x16xf32>,
        %get3A_425 = vector.shape_cast %get3A_424 : vector<1x16xf32> to vector<16xf32>
        %add3A_426 = arith.addf %add3A_352, %get3A_425 : vector<16xf32>
        %get3A_427 = arith.constant 0 : i32
        %get3A_428 = arith.constant 0 : i32
        %get3A_429 = tpu.memref_slice %arg6[%scan3A_91, %get3A_427, %get3A_428] : memref<4x100x128xf32, #tpu.memory_space<vmem>> -> memref<1x100x128xf32, #tpu.memory_space<vmem>>
        %get3A_430 = tpu.memref_squeeze %get3A_429 : memref<1x100x128xf32, #tpu.memory_space<vmem>> -> memref<100x128xf32, #tpu.memory_space<vmem>>
        %get3A_431 = arith.index_cast %scan3A_417 : i32 to index
        %get3A_432 = arith.constant 16 : index
        %get3A_433 = tpu.vector_load %get3A_430[%get3A_431, %get3A_432] {strides = array<i32>} : memref<100x128xf32, #tpu.memory_space<vmem>>, vector<1x16xf32>,
        %get3A_434 = vector.shape_cast %get3A_433 : vector<1x16xf32> to vector<16xf32>
        %add3A_435 = arith.addf %add3A_361, %get3A_434 : vector<16xf32>
        %get3A_436 = arith.constant 0 : i32
        %get3A_437 = arith.constant 0 : i32
        %get3A_438 = tpu.memref_slice %arg6[%scan3A_91, %get3A_436, %get3A_437] : memref<4x100x128xf32, #tpu.memory_space<vmem>> -> memref<1x100x128xf32, #tpu.memory_space<vmem>>
        %get3A_439 = tpu.memref_squeeze %get3A_438 : memref<1x100x128xf32, #tpu.memory_space<vmem>> -> memref<100x128xf32, #tpu.memory_space<vmem>>
        %get3A_440 = arith.index_cast %scan3A_417 : i32 to index
        %get3A_441 = arith.constant 32 : index
        %get3A_442 = tpu.vector_load %get3A_439[%get3A_440, %get3A_441] {strides = array<i32>} : memref<100x128xf32, #tpu.memory_space<vmem>>, vector<1x16xf32>,
        %get3A_443 = vector.shape_cast %get3A_442 : vector<1x16xf32> to vector<16xf32>
        %add3A_444 = arith.addf %add3A_370, %get3A_443 : vector<16xf32>
        %get3A_445 = arith.constant 0 : i32
        %get3A_446 = arith.constant 0 : i32
        %get3A_447 = tpu.memref_slice %arg6[%scan3A_91, %get3A_445, %get3A_446] : memref<4x100x128xf32, #tpu.memory_space<vmem>> -> memref<1x100x128xf32, #tpu.memory_space<vmem>>
        %get3A_448 = tpu.memref_squeeze %get3A_447 : memref<1x100x128xf32, #tpu.memory_space<vmem>> -> memref<100x128xf32, #tpu.memory_space<vmem>>
        %get3A_449 = arith.index_cast %scan3A_417 : i32 to index
        %get3A_450 = arith.constant 48 : index
        %get3A_451 = tpu.vector_load %get3A_448[%get3A_449, %get3A_450] {strides = array<i32>} : memref<100x128xf32, #tpu.memory_space<vmem>>, vector<1x16xf32>,
        %get3A_452 = vector.shape_cast %get3A_451 : vector<1x16xf32> to vector<16xf32>
        %add3A_453 = arith.addf %add3A_379, %get3A_452 : vector<16xf32>
        %get3A_454 = arith.constant 0 : i32
        %get3A_455 = arith.constant 0 : i32
        %get3A_456 = tpu.memref_slice %arg6[%scan3A_91, %get3A_454, %get3A_455] : memref<4x100x128xf32, #tpu.memory_space<vmem>> -> memref<1x100x128xf32, #tpu.memory_space<vmem>>
        %get3A_457 = tpu.memref_squeeze %get3A_456 : memref<1x100x128xf32, #tpu.memory_space<vmem>> -> memref<100x128xf32, #tpu.memory_space<vmem>>
        %get3A_458 = arith.index_cast %scan3A_417 : i32 to index
        %get3A_459 = arith.constant 64 : index
        %get3A_460 = tpu.vector_load %get3A_457[%get3A_458, %get3A_459] {strides = array<i32>} : memref<100x128xf32, #tpu.memory_space<vmem>>, vector<1x16xf32>,
        %get3A_461 = vector.shape_cast %get3A_460 : vector<1x16xf32> to vector<16xf32>
        %add3A_462 = arith.addf %add3A_388, %get3A_461 : vector<16xf32>
        %get3A_463 = arith.constant 0 : i32
        %get3A_464 = arith.constant 0 : i32
        %get3A_465 = tpu.memref_slice %arg6[%scan3A_91, %get3A_463, %get3A_464] : memref<4x100x128xf32, #tpu.memory_space<vmem>> -> memref<1x100x128xf32, #tpu.memory_space<vmem>>
        %get3A_466 = tpu.memref_squeeze %get3A_465 : memref<1x100x128xf32, #tpu.memory_space<vmem>> -> memref<100x128xf32, #tpu.memory_space<vmem>>
        %get3A_467 = arith.index_cast %scan3A_417 : i32 to index
        %get3A_468 = arith.constant 80 : index
        %get3A_469 = tpu.vector_load %get3A_466[%get3A_467, %get3A_468] {strides = array<i32>} : memref<100x128xf32, #tpu.memory_space<vmem>>, vector<1x16xf32>,
        %get3A_470 = vector.shape_cast %get3A_469 : vector<1x16xf32> to vector<16xf32>
        %add3A_471 = arith.addf %add3A_397, %get3A_470 : vector<16xf32>
        %get3A_472 = arith.constant 0 : i32
        %get3A_473 = arith.constant 0 : i32
        %get3A_474 = tpu.memref_slice %arg6[%scan3A_91, %get3A_472, %get3A_473] : memref<4x100x128xf32, #tpu.memory_space<vmem>> -> memref<1x100x128xf32, #tpu.memory_space<vmem>>
        %get3A_475 = tpu.memref_squeeze %get3A_474 : memref<1x100x128xf32, #tpu.memory_space<vmem>> -> memref<100x128xf32, #tpu.memory_space<vmem>>
        %get3A_476 = arith.index_cast %scan3A_417 : i32 to index
        %get3A_477 = arith.constant 96 : index
        %get3A_478 = tpu.vector_load %get3A_475[%get3A_476, %get3A_477] {strides = array<i32>} : memref<100x128xf32, #tpu.memory_space<vmem>>, vector<1x16xf32>,
        %get3A_479 = vector.shape_cast %get3A_478 : vector<1x16xf32> to vector<16xf32>
        %add3A_480 = arith.addf %add3A_406, %get3A_479 : vector<16xf32>
        %get3A_481 = arith.constant 0 : i32
        %get3A_482 = arith.constant 0 : i32
        %get3A_483 = tpu.memref_slice %arg6[%scan3A_91, %get3A_481, %get3A_482] : memref<4x100x128xf32, #tpu.memory_space<vmem>> -> memref<1x100x128xf32, #tpu.memory_space<vmem>>
        %get3A_484 = tpu.memref_squeeze %get3A_483 : memref<1x100x128xf32, #tpu.memory_space<vmem>> -> memref<100x128xf32, #tpu.memory_space<vmem>>
        %get3A_485 = arith.index_cast %scan3A_417 : i32 to index
        %get3A_486 = arith.constant 112 : index
        %get3A_487 = tpu.vector_load %get3A_484[%get3A_485, %get3A_486] {strides = array<i32>} : memref<100x128xf32, #tpu.memory_space<vmem>>, vector<1x16xf32>,
        %get3A_488 = vector.shape_cast %get3A_487 : vector<1x16xf32> to vector<16xf32>
        %add3A_489 = arith.addf %add3A_415, %get3A_488 : vector<16xf32>
        %scan3A_490 = arith.constant 2 : i32
        %scan3A_491 = arith.addi %scan3A_336, %scan3A_490 : i32
        %get3A_492 = arith.constant 0 : i32
        %get3A_493 = arith.constant 0 : i32
        %get3A_494 = tpu.memref_slice %arg6[%scan3A_91, %get3A_492, %get3A_493] : memref<4x100x128xf32, #tpu.memory_space<vmem>> -> memref<1x100x128xf32, #tpu.memory_space<vmem>>
        %get3A_495 = tpu.memref_squeeze %get3A_494 : memref<1x100x128xf32, #tpu.memory_space<vmem>> -> memref<100x128xf32, #tpu.memory_space<vmem>>
        %get3A_496 = arith.index_cast %scan3A_491 : i32 to index
        %get3A_497 = arith.constant 0 : index
        %get3A_498 = tpu.vector_load %get3A_495[%get3A_496, %get3A_497] {strides = array<i32>} : memref<100x128xf32, #tpu.memory_space<vmem>>, vector<1x16xf32>,
        %get3A_499 = vector.shape_cast %get3A_498 : vector<1x16xf32> to vector<16xf32>
        %add3A_500 = arith.addf %add3A_426, %get3A_499 : vector<16xf32>
        %get3A_501 = arith.constant 0 : i32
        %get3A_502 = arith.constant 0 : i32
        %get3A_503 = tpu.memref_slice %arg6[%scan3A_91, %get3A_501, %get3A_502] : memref<4x100x128xf32, #tpu.memory_space<vmem>> -> memref<1x100x128xf32, #tpu.memory_space<vmem>>
        %get3A_504 = tpu.memref_squeeze %get3A_503 : memref<1x100x128xf32, #tpu.memory_space<vmem>> -> memref<100x128xf32, #tpu.memory_space<vmem>>
        %get3A_505 = arith.index_cast %scan3A_491 : i32 to index
        %get3A_506 = arith.constant 16 : index
        %get3A_507 = tpu.vector_load %get3A_504[%get3A_505, %get3A_506] {strides = array<i32>} : memref<100x128xf32, #tpu.memory_space<vmem>>, vector<1x16xf32>,
        %get3A_508 = vector.shape_cast %get3A_507 : vector<1x16xf32> to vector<16xf32>
        %add3A_509 = arith.addf %add3A_435, %get3A_508 : vector<16xf32>
        %get3A_510 = arith.constant 0 : i32
        %get3A_511 = arith.constant 0 : i32
        %get3A_512 = tpu.memref_slice %arg6[%scan3A_91, %get3A_510, %get3A_511] : memref<4x100x128xf32, #tpu.memory_space<vmem>> -> memref<1x100x128xf32, #tpu.memory_space<vmem>>
        %get3A_513 = tpu.memref_squeeze %get3A_512 : memref<1x100x128xf32, #tpu.memory_space<vmem>> -> memref<100x128xf32, #tpu.memory_space<vmem>>
        %get3A_514 = arith.index_cast %scan3A_491 : i32 to index
        %get3A_515 = arith.constant 32 : index
        %get3A_516 = tpu.vector_load %get3A_513[%get3A_514, %get3A_515] {strides = array<i32>} : memref<100x128xf32, #tpu.memory_space<vmem>>, vector<1x16xf32>,
        %get3A_517 = vector.shape_cast %get3A_516 : vector<1x16xf32> to vector<16xf32>
        %add3A_518 = arith.addf %add3A_444, %get3A_517 : vector<16xf32>
        %get3A_519 = arith.constant 0 : i32
        %get3A_520 = arith.constant 0 : i32
        %get3A_521 = tpu.memref_slice %arg6[%scan3A_91, %get3A_519, %get3A_520] : memref<4x100x128xf32, #tpu.memory_space<vmem>> -> memref<1x100x128xf32, #tpu.memory_space<vmem>>
        %get3A_522 = tpu.memref_squeeze %get3A_521 : memref<1x100x128xf32, #tpu.memory_space<vmem>> -> memref<100x128xf32, #tpu.memory_space<vmem>>
        %get3A_523 = arith.index_cast %scan3A_491 : i32 to index
        %get3A_524 = arith.constant 48 : index
        %get3A_525 = tpu.vector_load %get3A_522[%get3A_523, %get3A_524] {strides = array<i32>} : memref<100x128xf32, #tpu.memory_space<vmem>>, vector<1x16xf32>,
        %get3A_526 = vector.shape_cast %get3A_525 : vector<1x16xf32> to vector<16xf32>
        %add3A_527 = arith.addf %add3A_453, %get3A_526 : vector<16xf32>
        %get3A_528 = arith.constant 0 : i32
        %get3A_529 = arith.constant 0 : i32
        %get3A_530 = tpu.memref_slice %arg6[%scan3A_91, %get3A_528, %get3A_529] : memref<4x100x128xf32, #tpu.memory_space<vmem>> -> memref<1x100x128xf32, #tpu.memory_space<vmem>>
        %get3A_531 = tpu.memref_squeeze %get3A_530 : memref<1x100x128xf32, #tpu.memory_space<vmem>> -> memref<100x128xf32, #tpu.memory_space<vmem>>
        %get3A_532 = arith.index_cast %scan3A_491 : i32 to index
        %get3A_533 = arith.constant 64 : index
        %get3A_534 = tpu.vector_load %get3A_531[%get3A_532, %get3A_533] {strides = array<i32>} : memref<100x128xf32, #tpu.memory_space<vmem>>, vector<1x16xf32>,
        %get3A_535 = vector.shape_cast %get3A_534 : vector<1x16xf32> to vector<16xf32>
        %add3A_536 = arith.addf %add3A_462, %get3A_535 : vector<16xf32>
        %get3A_537 = arith.constant 0 : i32
        %get3A_538 = arith.constant 0 : i32
        %get3A_539 = tpu.memref_slice %arg6[%scan3A_91, %get3A_537, %get3A_538] : memref<4x100x128xf32, #tpu.memory_space<vmem>> -> memref<1x100x128xf32, #tpu.memory_space<vmem>>
        %get3A_540 = tpu.memref_squeeze %get3A_539 : memref<1x100x128xf32, #tpu.memory_space<vmem>> -> memref<100x128xf32, #tpu.memory_space<vmem>>
        %get3A_541 = arith.index_cast %scan3A_491 : i32 to index
        %get3A_542 = arith.constant 80 : index
        %get3A_543 = tpu.vector_load %get3A_540[%get3A_541, %get3A_542] {strides = array<i32>} : memref<100x128xf32, #tpu.memory_space<vmem>>, vector<1x16xf32>,
        %get3A_544 = vector.shape_cast %get3A_543 : vector<1x16xf32> to vector<16xf32>
        %add3A_545 = arith.addf %add3A_471, %get3A_544 : vector<16xf32>
        %get3A_546 = arith.constant 0 : i32
        %get3A_547 = arith.constant 0 : i32
        %get3A_548 = tpu.memref_slice %arg6[%scan3A_91, %get3A_546, %get3A_547] : memref<4x100x128xf32, #tpu.memory_space<vmem>> -> memref<1x100x128xf32, #tpu.memory_space<vmem>>
        %get3A_549 = tpu.memref_squeeze %get3A_548 : memref<1x100x128xf32, #tpu.memory_space<vmem>> -> memref<100x128xf32, #tpu.memory_space<vmem>>
        %get3A_550 = arith.index_cast %scan3A_491 : i32 to index
        %get3A_551 = arith.constant 96 : index
        %get3A_552 = tpu.vector_load %get3A_549[%get3A_550, %get3A_551] {strides = array<i32>} : memref<100x128xf32, #tpu.memory_space<vmem>>, vector<1x16xf32>,
        %get3A_553 = vector.shape_cast %get3A_552 : vector<1x16xf32> to vector<16xf32>
        %add3A_554 = arith.addf %add3A_480, %get3A_553 : vector<16xf32>
        %get3A_555 = arith.constant 0 : i32
        %get3A_556 = arith.constant 0 : i32
        %get3A_557 = tpu.memref_slice %arg6[%scan3A_91, %get3A_555, %get3A_556] : memref<4x100x128xf32, #tpu.memory_space<vmem>> -> memref<1x100x128xf32, #tpu.memory_space<vmem>>
        %get3A_558 = tpu.memref_squeeze %get3A_557 : memref<1x100x128xf32, #tpu.memory_space<vmem>> -> memref<100x128xf32, #tpu.memory_space<vmem>>
        %get3A_559 = arith.index_cast %scan3A_491 : i32 to index
        %get3A_560 = arith.constant 112 : index
        %get3A_561 = tpu.vector_load %get3A_558[%get3A_559, %get3A_560] {strides = array<i32>} : memref<100x128xf32, #tpu.memory_space<vmem>>, vector<1x16xf32>,
        %get3A_562 = vector.shape_cast %get3A_561 : vector<1x16xf32> to vector<16xf32>
        %add3A_563 = arith.addf %add3A_489, %get3A_562 : vector<16xf32>
        %scan3A_564 = arith.constant 3 : i32
        %scan3A_565 = arith.addi %scan3A_336, %scan3A_564 : i32
        %get3A_566 = arith.constant 0 : i32
        %get3A_567 = arith.constant 0 : i32
        %get3A_568 = tpu.memref_slice %arg6[%scan3A_91, %get3A_566, %get3A_567] : memref<4x100x128xf32, #tpu.memory_space<vmem>> -> memref<1x100x128xf32, #tpu.memory_space<vmem>>
        %get3A_569 = tpu.memref_squeeze %get3A_568 : memref<1x100x128xf32, #tpu.memory_space<vmem>> -> memref<100x128xf32, #tpu.memory_space<vmem>>
        %get3A_570 = arith.index_cast %scan3A_565 : i32 to index
        %get3A_571 = arith.constant 0 : index
        %get3A_572 = tpu.vector_load %get3A_569[%get3A_570, %get3A_571] {strides = array<i32>} : memref<100x128xf32, #tpu.memory_space<vmem>>, vector<1x16xf32>,
        %get3A_573 = vector.shape_cast %get3A_572 : vector<1x16xf32> to vector<16xf32>
        %add3A_574 = arith.addf %add3A_500, %get3A_573 : vector<16xf32>
        %get3A_575 = arith.constant 0 : i32
        %get3A_576 = arith.constant 0 : i32
        %get3A_577 = tpu.memref_slice %arg6[%scan3A_91, %get3A_575, %get3A_576] : memref<4x100x128xf32, #tpu.memory_space<vmem>> -> memref<1x100x128xf32, #tpu.memory_space<vmem>>
        %get3A_578 = tpu.memref_squeeze %get3A_577 : memref<1x100x128xf32, #tpu.memory_space<vmem>> -> memref<100x128xf32, #tpu.memory_space<vmem>>
        %get3A_579 = arith.index_cast %scan3A_565 : i32 to index
        %get3A_580 = arith.constant 16 : index
        %get3A_581 = tpu.vector_load %get3A_578[%get3A_579, %get3A_580] {strides = array<i32>} : memref<100x128xf32, #tpu.memory_space<vmem>>, vector<1x16xf32>,
        %get3A_582 = vector.shape_cast %get3A_581 : vector<1x16xf32> to vector<16xf32>
        %add3A_583 = arith.addf %add3A_509, %get3A_582 : vector<16xf32>
        %get3A_584 = arith.constant 0 : i32
        %get3A_585 = arith.constant 0 : i32
        %get3A_586 = tpu.memref_slice %arg6[%scan3A_91, %get3A_584, %get3A_585] : memref<4x100x128xf32, #tpu.memory_space<vmem>> -> memref<1x100x128xf32, #tpu.memory_space<vmem>>
        %get3A_587 = tpu.memref_squeeze %get3A_586 : memref<1x100x128xf32, #tpu.memory_space<vmem>> -> memref<100x128xf32, #tpu.memory_space<vmem>>
        %get3A_588 = arith.index_cast %scan3A_565 : i32 to index
        %get3A_589 = arith.constant 32 : index
        %get3A_590 = tpu.vector_load %get3A_587[%get3A_588, %get3A_589] {strides = array<i32>} : memref<100x128xf32, #tpu.memory_space<vmem>>, vector<1x16xf32>,
        %get3A_591 = vector.shape_cast %get3A_590 : vector<1x16xf32> to vector<16xf32>
        %add3A_592 = arith.addf %add3A_518, %get3A_591 : vector<16xf32>
        %get3A_593 = arith.constant 0 : i32
        %get3A_594 = arith.constant 0 : i32
        %get3A_595 = tpu.memref_slice %arg6[%scan3A_91, %get3A_593, %get3A_594] : memref<4x100x128xf32, #tpu.memory_space<vmem>> -> memref<1x100x128xf32, #tpu.memory_space<vmem>>
        %get3A_596 = tpu.memref_squeeze %get3A_595 : memref<1x100x128xf32, #tpu.memory_space<vmem>> -> memref<100x128xf32, #tpu.memory_space<vmem>>
        %get3A_597 = arith.index_cast %scan3A_565 : i32 to index
        %get3A_598 = arith.constant 48 : index
        %get3A_599 = tpu.vector_load %get3A_596[%get3A_597, %get3A_598] {strides = array<i32>} : memref<100x128xf32, #tpu.memory_space<vmem>>, vector<1x16xf32>,
        %get3A_600 = vector.shape_cast %get3A_599 : vector<1x16xf32> to vector<16xf32>
        %add3A_601 = arith.addf %add3A_527, %get3A_600 : vector<16xf32>
        %get3A_602 = arith.constant 0 : i32
        %get3A_603 = arith.constant 0 : i32
        %get3A_604 = tpu.memref_slice %arg6[%scan3A_91, %get3A_602, %get3A_603] : memref<4x100x128xf32, #tpu.memory_space<vmem>> -> memref<1x100x128xf32, #tpu.memory_space<vmem>>
        %get3A_605 = tpu.memref_squeeze %get3A_604 : memref<1x100x128xf32, #tpu.memory_space<vmem>> -> memref<100x128xf32, #tpu.memory_space<vmem>>
        %get3A_606 = arith.index_cast %scan3A_565 : i32 to index
        %get3A_607 = arith.constant 64 : index
        %get3A_608 = tpu.vector_load %get3A_605[%get3A_606, %get3A_607] {strides = array<i32>} : memref<100x128xf32, #tpu.memory_space<vmem>>, vector<1x16xf32>,
        %get3A_609 = vector.shape_cast %get3A_608 : vector<1x16xf32> to vector<16xf32>
        %add3A_610 = arith.addf %add3A_536, %get3A_609 : vector<16xf32>
        %get3A_611 = arith.constant 0 : i32
        %get3A_612 = arith.constant 0 : i32
        %get3A_613 = tpu.memref_slice %arg6[%scan3A_91, %get3A_611, %get3A_612] : memref<4x100x128xf32, #tpu.memory_space<vmem>> -> memref<1x100x128xf32, #tpu.memory_space<vmem>>
        %get3A_614 = tpu.memref_squeeze %get3A_613 : memref<1x100x128xf32, #tpu.memory_space<vmem>> -> memref<100x128xf32, #tpu.memory_space<vmem>>
        %get3A_615 = arith.index_cast %scan3A_565 : i32 to index
        %get3A_616 = arith.constant 80 : index
        %get3A_617 = tpu.vector_load %get3A_614[%get3A_615, %get3A_616] {strides = array<i32>} : memref<100x128xf32, #tpu.memory_space<vmem>>, vector<1x16xf32>,
        %get3A_618 = vector.shape_cast %get3A_617 : vector<1x16xf32> to vector<16xf32>
        %add3A_619 = arith.addf %add3A_545, %get3A_618 : vector<16xf32>
        %get3A_620 = arith.constant 0 : i32
        %get3A_621 = arith.constant 0 : i32
        %get3A_622 = tpu.memref_slice %arg6[%scan3A_91, %get3A_620, %get3A_621] : memref<4x100x128xf32, #tpu.memory_space<vmem>> -> memref<1x100x128xf32, #tpu.memory_space<vmem>>
        %get3A_623 = tpu.memref_squeeze %get3A_622 : memref<1x100x128xf32, #tpu.memory_space<vmem>> -> memref<100x128xf32, #tpu.memory_space<vmem>>
        %get3A_624 = arith.index_cast %scan3A_565 : i32 to index
        %get3A_625 = arith.constant 96 : index
        %get3A_626 = tpu.vector_load %get3A_623[%get3A_624, %get3A_625] {strides = array<i32>} : memref<100x128xf32, #tpu.memory_space<vmem>>, vector<1x16xf32>,
        %get3A_627 = vector.shape_cast %get3A_626 : vector<1x16xf32> to vector<16xf32>
        %add3A_628 = arith.addf %add3A_554, %get3A_627 : vector<16xf32>
        %get3A_629 = arith.constant 0 : i32
        %get3A_630 = arith.constant 0 : i32
        %get3A_631 = tpu.memref_slice %arg6[%scan3A_91, %get3A_629, %get3A_630] : memref<4x100x128xf32, #tpu.memory_space<vmem>> -> memref<1x100x128xf32, #tpu.memory_space<vmem>>
        %get3A_632 = tpu.memref_squeeze %get3A_631 : memref<1x100x128xf32, #tpu.memory_space<vmem>> -> memref<100x128xf32, #tpu.memory_space<vmem>>
        %get3A_633 = arith.index_cast %scan3A_565 : i32 to index
        %get3A_634 = arith.constant 112 : index
        %get3A_635 = tpu.vector_load %get3A_632[%get3A_633, %get3A_634] {strides = array<i32>} : memref<100x128xf32, #tpu.memory_space<vmem>>, vector<1x16xf32>,
        %get3A_636 = vector.shape_cast %get3A_635 : vector<1x16xf32> to vector<16xf32>
        %add3A_637 = arith.addf %add3A_563, %get3A_636 : vector<16xf32>
        scf.yield %add3A_574, %add3A_583, %add3A_592, %add3A_601, %add3A_610, %add3A_619, %add3A_628, %add3A_637 : vector<16xf32>, vector<16xf32>, vector<16xf32>, vector<16xf32>, vector<16xf32>, vector<16xf32>, vector<16xf32>, vector<16xf32>
      }
      %scan3A_97 = arith.constant 100 : i32
      %add3A_98 = arith.constant 4 : i32
      %add3A_99 = arith.addi %add3A_65, %add3A_98 : i32
      %lt3A = arith.constant 256 : i32
      %lt3A_100 = arith.cmpi slt, %add3A_99, %lt3A : i32
      %convert_element_type3A = arith.extui %lt3A_100 : i1 to i32
      %cond3A = arith.constant 0 : i32
      %cond3A_101 = arith.cmpi ne, %convert_element_type3A, %cond3A : i32
      scf.if %cond3A_101 {
        %dma_start3A_336 = arith.constant 0 : i32
        %dma_start3A_337 = arith.constant 0 : i32
        %dma_start3A_338 = arith.constant 0 : i32
        %dma_start3A_339 = tpu.memref_slice %arg6[%dma_start3A_336, %dma_start3A_337, %dma_start3A_338] : memref<4x100x128xf32, #tpu.memory_space<vmem>> -> memref<1x48x128xf32, #tpu.memory_space<vmem>>
        %dma_start3A_340 = tpu.memref_squeeze %dma_start3A_339 : memref<1x48x128xf32, #tpu.memory_space<vmem>> -> memref<48x128xf32, #tpu.memory_space<vmem>>
        %dma_start3A_341 = arith.constant 0 : i32
        %dma_start3A_342 = tpu.memref_slice %arg5[%add3A_99, %dma_start3A_341] : memref<256x100xi32, #tpu.memory_space<vmem>> -> memref<1x48xi32, #tpu.memory_space<vmem>>
        %dma_start3A_343 = tpu.memref_squeeze %dma_start3A_342 : memref<1x48xi32, #tpu.memory_space<vmem>> -> memref<48xi32, #tpu.memory_space<vmem>>
        %dma_start3A_344 = arith.constant 0 : i32
        %dma_start3A_345 = arith.constant 0 : i32
        %dma_start3A_346 = tpu.memref_slice %arg3[%dma_start3A_344, %dma_start3A_345] : memref<100000x128xf32, #tpu.memory_space<hbm>> -> memref<100000x128xf32, #tpu.memory_space<hbm>>
        tpu.enqueue_indirect_dma source(%dma_start3A_346 : memref<100000x128xf32, #tpu.memory_space<hbm>>) target(%dma_start3A_340 : memref<48x128xf32, #tpu.memory_space<vmem>>) offsets(%dma_start3A_343 : memref<48xi32, #tpu.memory_space<vmem>>) semaphore(%arg8 : memref<!tpu.dma_semaphore, #tpu.memory_space<semaphore_mem>>)
      } else {
      }
      %mul3A_102 = arith.constant 4 : i32
      %mul3A_103 = arith.muli %mul3A_102, %scan3A_57 : i32
      %add3A_104 = arith.constant 1 : i32
      %add3A_105 = arith.addi %mul3A_103, %add3A_104 : i32
      %dma_wait3A_106 = arith.constant 1 : i32
      %dma_wait3A_107 = arith.constant 0 : i32
      %dma_wait3A_108 = arith.constant 0 : i32
      %dma_wait3A_109 = tpu.memref_slice %arg6[%dma_wait3A_106, %dma_wait3A_107, %dma_wait3A_108] : memref<4x100x128xf32, #tpu.memory_space<vmem>> -> memref<1x48x128xf32, #tpu.memory_space<vmem>>
      %dma_wait3A_110 = tpu.memref_squeeze %dma_wait3A_109 : memref<1x48x128xf32, #tpu.memory_space<vmem>> -> memref<48x128xf32, #tpu.memory_space<vmem>>
      %dma_wait3A_111 = arith.constant 0 : i32
      %dma_wait3A_112 = tpu.memref_slice %arg5[%add3A_105, %dma_wait3A_111] : memref<256x100xi32, #tpu.memory_space<vmem>> -> memref<1x48xi32, #tpu.memory_space<vmem>>
      %dma_wait3A_113 = tpu.memref_squeeze %dma_wait3A_112 : memref<1x48xi32, #tpu.memory_space<vmem>> -> memref<48xi32, #tpu.memory_space<vmem>>
      %dma_wait3A_114 = arith.constant 0 : i32
      %dma_wait3A_115 = arith.constant 0 : i32
      %dma_wait3A_116 = tpu.memref_slice %arg3[%dma_wait3A_114, %dma_wait3A_115] : memref<100000x128xf32, #tpu.memory_space<hbm>> -> memref<100000x128xf32, #tpu.memory_space<hbm>>
      tpu.wait_indirect_dma semaphore(%arg9 : memref<!tpu.dma_semaphore, #tpu.memory_space<semaphore_mem>>) src(%dma_wait3A_116 : memref<100000x128xf32, #tpu.memory_space<hbm>>) dst(%dma_wait3A_110 : memref<48x128xf32, #tpu.memory_space<vmem>>)
      %broadcast_in_dim3A_117 = arith.constant 0.000000e+00 : f32
      %broadcast_in_dim3A_118 = vector.broadcast %broadcast_in_dim3A_117 : f32 to vector<16xf32>
      %broadcast_in_dim3A_119 = arith.constant 0.000000e+00 : f32
      %broadcast_in_dim3A_120 = vector.broadcast %broadcast_in_dim3A_119 : f32 to vector<16xf32>
      %broadcast_in_dim3A_121 = arith.constant 0.000000e+00 : f32
      %broadcast_in_dim3A_122 = vector.broadcast %broadcast_in_dim3A_121 : f32 to vector<16xf32>
      %broadcast_in_dim3A_123 = arith.constant 0.000000e+00 : f32
      %broadcast_in_dim3A_124 = vector.broadcast %broadcast_in_dim3A_123 : f32 to vector<16xf32>
      %broadcast_in_dim3A_125 = arith.constant 0.000000e+00 : f32
      %broadcast_in_dim3A_126 = vector.broadcast %broadcast_in_dim3A_125 : f32 to vector<16xf32>
      %broadcast_in_dim3A_127 = arith.constant 0.000000e+00 : f32
      %broadcast_in_dim3A_128 = vector.broadcast %broadcast_in_dim3A_127 : f32 to vector<16xf32>
      %broadcast_in_dim3A_129 = arith.constant 0.000000e+00 : f32
      %broadcast_in_dim3A_130 = vector.broadcast %broadcast_in_dim3A_129 : f32 to vector<16xf32>
      %broadcast_in_dim3A_131 = arith.constant 0.000000e+00 : f32
      %broadcast_in_dim3A_132 = vector.broadcast %broadcast_in_dim3A_131 : f32 to vector<16xf32>
      %scan3A_133 = arith.constant 1 : i32
      %scan3A_134 = arith.constant 0 : i32
      %scan3A_135 = arith.constant 100 : i32
      %scan3A_136 = arith.addi %scan3A_134, %scan3A_135 : i32
      %scan3A_137 = arith.constant 4 : i32
      %scan3A_138:8 = scf.for %scan3A_336 = %scan3A_134 to %scan3A_136 step %scan3A_137 iter_args(%scan3A_337 = %broadcast_in_dim3A_118, %scan3A_338 = %broadcast_in_dim3A_120, %scan3A_339 = %broadcast_in_dim3A_122, %scan3A_340 = %broadcast_in_dim3A_124, %scan3A_341 = %broadcast_in_dim3A_126, %scan3A_342 = %broadcast_in_dim3A_128, %scan3A_343 = %broadcast_in_dim3A_130, %scan3A_344 = %broadcast_in_dim3A_132) -> (vector<16xf32>, vector<16xf32>, vector<16xf32>, vector<16xf32>, vector<16xf32>, vector<16xf32>, vector<16xf32>, vector<16xf32>)  : i32 {
        %get3A = arith.constant 0 : i32
        %get3A_345 = arith.constant 0 : i32
        %get3A_346 = tpu.memref_slice %arg6[%scan3A_133, %get3A, %get3A_345] : memref<4x100x128xf32, #tpu.memory_space<vmem>> -> memref<1x100x128xf32, #tpu.memory_space<vmem>>
        %get3A_347 = tpu.memref_squeeze %get3A_346 : memref<1x100x128xf32, #tpu.memory_space<vmem>> -> memref<100x128xf32, #tpu.memory_space<vmem>>
        %get3A_348 = arith.index_cast %scan3A_336 : i32 to index
        %get3A_349 = arith.constant 0 : index
        %get3A_350 = tpu.vector_load %get3A_347[%get3A_348, %get3A_349] {strides = array<i32>} : memref<100x128xf32, #tpu.memory_space<vmem>>, vector<1x16xf32>,
        %get3A_351 = vector.shape_cast %get3A_350 : vector<1x16xf32> to vector<16xf32>
        %add3A_352 = arith.addf %scan3A_337, %get3A_351 : vector<16xf32>
        %get3A_353 = arith.constant 0 : i32
        %get3A_354 = arith.constant 0 : i32
        %get3A_355 = tpu.memref_slice %arg6[%scan3A_133, %get3A_353, %get3A_354] : memref<4x100x128xf32, #tpu.memory_space<vmem>> -> memref<1x100x128xf32, #tpu.memory_space<vmem>>
        %get3A_356 = tpu.memref_squeeze %get3A_355 : memref<1x100x128xf32, #tpu.memory_space<vmem>> -> memref<100x128xf32, #tpu.memory_space<vmem>>
        %get3A_357 = arith.index_cast %scan3A_336 : i32 to index
        %get3A_358 = arith.constant 16 : index
        %get3A_359 = tpu.vector_load %get3A_356[%get3A_357, %get3A_358] {strides = array<i32>} : memref<100x128xf32, #tpu.memory_space<vmem>>, vector<1x16xf32>,
        %get3A_360 = vector.shape_cast %get3A_359 : vector<1x16xf32> to vector<16xf32>
        %add3A_361 = arith.addf %scan3A_338, %get3A_360 : vector<16xf32>
        %get3A_362 = arith.constant 0 : i32
        %get3A_363 = arith.constant 0 : i32
        %get3A_364 = tpu.memref_slice %arg6[%scan3A_133, %get3A_362, %get3A_363] : memref<4x100x128xf32, #tpu.memory_space<vmem>> -> memref<1x100x128xf32, #tpu.memory_space<vmem>>
        %get3A_365 = tpu.memref_squeeze %get3A_364 : memref<1x100x128xf32, #tpu.memory_space<vmem>> -> memref<100x128xf32, #tpu.memory_space<vmem>>
        %get3A_366 = arith.index_cast %scan3A_336 : i32 to index
        %get3A_367 = arith.constant 32 : index
        %get3A_368 = tpu.vector_load %get3A_365[%get3A_366, %get3A_367] {strides = array<i32>} : memref<100x128xf32, #tpu.memory_space<vmem>>, vector<1x16xf32>,
        %get3A_369 = vector.shape_cast %get3A_368 : vector<1x16xf32> to vector<16xf32>
        %add3A_370 = arith.addf %scan3A_339, %get3A_369 : vector<16xf32>
        %get3A_371 = arith.constant 0 : i32
        %get3A_372 = arith.constant 0 : i32
        %get3A_373 = tpu.memref_slice %arg6[%scan3A_133, %get3A_371, %get3A_372] : memref<4x100x128xf32, #tpu.memory_space<vmem>> -> memref<1x100x128xf32, #tpu.memory_space<vmem>>
        %get3A_374 = tpu.memref_squeeze %get3A_373 : memref<1x100x128xf32, #tpu.memory_space<vmem>> -> memref<100x128xf32, #tpu.memory_space<vmem>>
        %get3A_375 = arith.index_cast %scan3A_336 : i32 to index
        %get3A_376 = arith.constant 48 : index
        %get3A_377 = tpu.vector_load %get3A_374[%get3A_375, %get3A_376] {strides = array<i32>} : memref<100x128xf32, #tpu.memory_space<vmem>>, vector<1x16xf32>,
        %get3A_378 = vector.shape_cast %get3A_377 : vector<1x16xf32> to vector<16xf32>
        %add3A_379 = arith.addf %scan3A_340, %get3A_378 : vector<16xf32>
        %get3A_380 = arith.constant 0 : i32
        %get3A_381 = arith.constant 0 : i32
        %get3A_382 = tpu.memref_slice %arg6[%scan3A_133, %get3A_380, %get3A_381] : memref<4x100x128xf32, #tpu.memory_space<vmem>> -> memref<1x100x128xf32, #tpu.memory_space<vmem>>
        %get3A_383 = tpu.memref_squeeze %get3A_382 : memref<1x100x128xf32, #tpu.memory_space<vmem>> -> memref<100x128xf32, #tpu.memory_space<vmem>>
        %get3A_384 = arith.index_cast %scan3A_336 : i32 to index
        %get3A_385 = arith.constant 64 : index
        %get3A_386 = tpu.vector_load %get3A_383[%get3A_384, %get3A_385] {strides = array<i32>} : memref<100x128xf32, #tpu.memory_space<vmem>>, vector<1x16xf32>,
        %get3A_387 = vector.shape_cast %get3A_386 : vector<1x16xf32> to vector<16xf32>
        %add3A_388 = arith.addf %scan3A_341, %get3A_387 : vector<16xf32>
        %get3A_389 = arith.constant 0 : i32
        %get3A_390 = arith.constant 0 : i32
        %get3A_391 = tpu.memref_slice %arg6[%scan3A_133, %get3A_389, %get3A_390] : memref<4x100x128xf32, #tpu.memory_space<vmem>> -> memref<1x100x128xf32, #tpu.memory_space<vmem>>
        %get3A_392 = tpu.memref_squeeze %get3A_391 : memref<1x100x128xf32, #tpu.memory_space<vmem>> -> memref<100x128xf32, #tpu.memory_space<vmem>>
        %get3A_393 = arith.index_cast %scan3A_336 : i32 to index
        %get3A_394 = arith.constant 80 : index
        %get3A_395 = tpu.vector_load %get3A_392[%get3A_393, %get3A_394] {strides = array<i32>} : memref<100x128xf32, #tpu.memory_space<vmem>>, vector<1x16xf32>,
        %get3A_396 = vector.shape_cast %get3A_395 : vector<1x16xf32> to vector<16xf32>
        %add3A_397 = arith.addf %scan3A_342, %get3A_396 : vector<16xf32>
        %get3A_398 = arith.constant 0 : i32
        %get3A_399 = arith.constant 0 : i32
        %get3A_400 = tpu.memref_slice %arg6[%scan3A_133, %get3A_398, %get3A_399] : memref<4x100x128xf32, #tpu.memory_space<vmem>> -> memref<1x100x128xf32, #tpu.memory_space<vmem>>
        %get3A_401 = tpu.memref_squeeze %get3A_400 : memref<1x100x128xf32, #tpu.memory_space<vmem>> -> memref<100x128xf32, #tpu.memory_space<vmem>>
        %get3A_402 = arith.index_cast %scan3A_336 : i32 to index
        %get3A_403 = arith.constant 96 : index
        %get3A_404 = tpu.vector_load %get3A_401[%get3A_402, %get3A_403] {strides = array<i32>} : memref<100x128xf32, #tpu.memory_space<vmem>>, vector<1x16xf32>,
        %get3A_405 = vector.shape_cast %get3A_404 : vector<1x16xf32> to vector<16xf32>
        %add3A_406 = arith.addf %scan3A_343, %get3A_405 : vector<16xf32>
        %get3A_407 = arith.constant 0 : i32
        %get3A_408 = arith.constant 0 : i32
        %get3A_409 = tpu.memref_slice %arg6[%scan3A_133, %get3A_407, %get3A_408] : memref<4x100x128xf32, #tpu.memory_space<vmem>> -> memref<1x100x128xf32, #tpu.memory_space<vmem>>
        %get3A_410 = tpu.memref_squeeze %get3A_409 : memref<1x100x128xf32, #tpu.memory_space<vmem>> -> memref<100x128xf32, #tpu.memory_space<vmem>>
        %get3A_411 = arith.index_cast %scan3A_336 : i32 to index
        %get3A_412 = arith.constant 112 : index
        %get3A_413 = tpu.vector_load %get3A_410[%get3A_411, %get3A_412] {strides = array<i32>} : memref<100x128xf32, #tpu.memory_space<vmem>>, vector<1x16xf32>,
        %get3A_414 = vector.shape_cast %get3A_413 : vector<1x16xf32> to vector<16xf32>
        %add3A_415 = arith.addf %scan3A_344, %get3A_414 : vector<16xf32>
        %scan3A_416 = arith.constant 1 : i32
        %scan3A_417 = arith.addi %scan3A_336, %scan3A_416 : i32
        %get3A_418 = arith.constant 0 : i32
        %get3A_419 = arith.constant 0 : i32
        %get3A_420 = tpu.memref_slice %arg6[%scan3A_133, %get3A_418, %get3A_419] : memref<4x100x128xf32, #tpu.memory_space<vmem>> -> memref<1x100x128xf32, #tpu.memory_space<vmem>>
        %get3A_421 = tpu.memref_squeeze %get3A_420 : memref<1x100x128xf32, #tpu.memory_space<vmem>> -> memref<100x128xf32, #tpu.memory_space<vmem>>
        %get3A_422 = arith.index_cast %scan3A_417 : i32 to index
        %get3A_423 = arith.constant 0 : index
        %get3A_424 = tpu.vector_load %get3A_421[%get3A_422, %get3A_423] {strides = array<i32>} : memref<100x128xf32, #tpu.memory_space<vmem>>, vector<1x16xf32>,
        %get3A_425 = vector.shape_cast %get3A_424 : vector<1x16xf32> to vector<16xf32>
        %add3A_426 = arith.addf %add3A_352, %get3A_425 : vector<16xf32>
        %get3A_427 = arith.constant 0 : i32
        %get3A_428 = arith.constant 0 : i32
        %get3A_429 = tpu.memref_slice %arg6[%scan3A_133, %get3A_427, %get3A_428] : memref<4x100x128xf32, #tpu.memory_space<vmem>> -> memref<1x100x128xf32, #tpu.memory_space<vmem>>
        %get3A_430 = tpu.memref_squeeze %get3A_429 : memref<1x100x128xf32, #tpu.memory_space<vmem>> -> memref<100x128xf32, #tpu.memory_space<vmem>>
        %get3A_431 = arith.index_cast %scan3A_417 : i32 to index
        %get3A_432 = arith.constant 16 : index
        %get3A_433 = tpu.vector_load %get3A_430[%get3A_431, %get3A_432] {strides = array<i32>} : memref<100x128xf32, #tpu.memory_space<vmem>>, vector<1x16xf32>,
        %get3A_434 = vector.shape_cast %get3A_433 : vector<1x16xf32> to vector<16xf32>
        %add3A_435 = arith.addf %add3A_361, %get3A_434 : vector<16xf32>
        %get3A_436 = arith.constant 0 : i32
        %get3A_437 = arith.constant 0 : i32
        %get3A_438 = tpu.memref_slice %arg6[%scan3A_133, %get3A_436, %get3A_437] : memref<4x100x128xf32, #tpu.memory_space<vmem>> -> memref<1x100x128xf32, #tpu.memory_space<vmem>>
        %get3A_439 = tpu.memref_squeeze %get3A_438 : memref<1x100x128xf32, #tpu.memory_space<vmem>> -> memref<100x128xf32, #tpu.memory_space<vmem>>
        %get3A_440 = arith.index_cast %scan3A_417 : i32 to index
        %get3A_441 = arith.constant 32 : index
        %get3A_442 = tpu.vector_load %get3A_439[%get3A_440, %get3A_441] {strides = array<i32>} : memref<100x128xf32, #tpu.memory_space<vmem>>, vector<1x16xf32>,
        %get3A_443 = vector.shape_cast %get3A_442 : vector<1x16xf32> to vector<16xf32>
        %add3A_444 = arith.addf %add3A_370, %get3A_443 : vector<16xf32>
        %get3A_445 = arith.constant 0 : i32
        %get3A_446 = arith.constant 0 : i32
        %get3A_447 = tpu.memref_slice %arg6[%scan3A_133, %get3A_445, %get3A_446] : memref<4x100x128xf32, #tpu.memory_space<vmem>> -> memref<1x100x128xf32, #tpu.memory_space<vmem>>
        %get3A_448 = tpu.memref_squeeze %get3A_447 : memref<1x100x128xf32, #tpu.memory_space<vmem>> -> memref<100x128xf32, #tpu.memory_space<vmem>>
        %get3A_449 = arith.index_cast %scan3A_417 : i32 to index
        %get3A_450 = arith.constant 48 : index
        %get3A_451 = tpu.vector_load %get3A_448[%get3A_449, %get3A_450] {strides = array<i32>} : memref<100x128xf32, #tpu.memory_space<vmem>>, vector<1x16xf32>,
        %get3A_452 = vector.shape_cast %get3A_451 : vector<1x16xf32> to vector<16xf32>
        %add3A_453 = arith.addf %add3A_379, %get3A_452 : vector<16xf32>
        %get3A_454 = arith.constant 0 : i32
        %get3A_455 = arith.constant 0 : i32
        %get3A_456 = tpu.memref_slice %arg6[%scan3A_133, %get3A_454, %get3A_455] : memref<4x100x128xf32, #tpu.memory_space<vmem>> -> memref<1x100x128xf32, #tpu.memory_space<vmem>>
        %get3A_457 = tpu.memref_squeeze %get3A_456 : memref<1x100x128xf32, #tpu.memory_space<vmem>> -> memref<100x128xf32, #tpu.memory_space<vmem>>
        %get3A_458 = arith.index_cast %scan3A_417 : i32 to index
        %get3A_459 = arith.constant 64 : index
        %get3A_460 = tpu.vector_load %get3A_457[%get3A_458, %get3A_459] {strides = array<i32>} : memref<100x128xf32, #tpu.memory_space<vmem>>, vector<1x16xf32>,
        %get3A_461 = vector.shape_cast %get3A_460 : vector<1x16xf32> to vector<16xf32>
        %add3A_462 = arith.addf %add3A_388, %get3A_461 : vector<16xf32>
        %get3A_463 = arith.constant 0 : i32
        %get3A_464 = arith.constant 0 : i32
        %get3A_465 = tpu.memref_slice %arg6[%scan3A_133, %get3A_463, %get3A_464] : memref<4x100x128xf32, #tpu.memory_space<vmem>> -> memref<1x100x128xf32, #tpu.memory_space<vmem>>
        %get3A_466 = tpu.memref_squeeze %get3A_465 : memref<1x100x128xf32, #tpu.memory_space<vmem>> -> memref<100x128xf32, #tpu.memory_space<vmem>>
        %get3A_467 = arith.index_cast %scan3A_417 : i32 to index
        %get3A_468 = arith.constant 80 : index
        %get3A_469 = tpu.vector_load %get3A_466[%get3A_467, %get3A_468] {strides = array<i32>} : memref<100x128xf32, #tpu.memory_space<vmem>>, vector<1x16xf32>,
        %get3A_470 = vector.shape_cast %get3A_469 : vector<1x16xf32> to vector<16xf32>
        %add3A_471 = arith.addf %add3A_397, %get3A_470 : vector<16xf32>
        %get3A_472 = arith.constant 0 : i32
        %get3A_473 = arith.constant 0 : i32
        %get3A_474 = tpu.memref_slice %arg6[%scan3A_133, %get3A_472, %get3A_473] : memref<4x100x128xf32, #tpu.memory_space<vmem>> -> memref<1x100x128xf32, #tpu.memory_space<vmem>>
        %get3A_475 = tpu.memref_squeeze %get3A_474 : memref<1x100x128xf32, #tpu.memory_space<vmem>> -> memref<100x128xf32, #tpu.memory_space<vmem>>
        %get3A_476 = arith.index_cast %scan3A_417 : i32 to index
        %get3A_477 = arith.constant 96 : index
        %get3A_478 = tpu.vector_load %get3A_475[%get3A_476, %get3A_477] {strides = array<i32>} : memref<100x128xf32, #tpu.memory_space<vmem>>, vector<1x16xf32>,
        %get3A_479 = vector.shape_cast %get3A_478 : vector<1x16xf32> to vector<16xf32>
        %add3A_480 = arith.addf %add3A_406, %get3A_479 : vector<16xf32>
        %get3A_481 = arith.constant 0 : i32
        %get3A_482 = arith.constant 0 : i32
        %get3A_483 = tpu.memref_slice %arg6[%scan3A_133, %get3A_481, %get3A_482] : memref<4x100x128xf32, #tpu.memory_space<vmem>> -> memref<1x100x128xf32, #tpu.memory_space<vmem>>
        %get3A_484 = tpu.memref_squeeze %get3A_483 : memref<1x100x128xf32, #tpu.memory_space<vmem>> -> memref<100x128xf32, #tpu.memory_space<vmem>>
        %get3A_485 = arith.index_cast %scan3A_417 : i32 to index
        %get3A_486 = arith.constant 112 : index
        %get3A_487 = tpu.vector_load %get3A_484[%get3A_485, %get3A_486] {strides = array<i32>} : memref<100x128xf32, #tpu.memory_space<vmem>>, vector<1x16xf32>,
        %get3A_488 = vector.shape_cast %get3A_487 : vector<1x16xf32> to vector<16xf32>
        %add3A_489 = arith.addf %add3A_415, %get3A_488 : vector<16xf32>
        %scan3A_490 = arith.constant 2 : i32
        %scan3A_491 = arith.addi %scan3A_336, %scan3A_490 : i32
        %get3A_492 = arith.constant 0 : i32
        %get3A_493 = arith.constant 0 : i32
        %get3A_494 = tpu.memref_slice %arg6[%scan3A_133, %get3A_492, %get3A_493] : memref<4x100x128xf32, #tpu.memory_space<vmem>> -> memref<1x100x128xf32, #tpu.memory_space<vmem>>
        %get3A_495 = tpu.memref_squeeze %get3A_494 : memref<1x100x128xf32, #tpu.memory_space<vmem>> -> memref<100x128xf32, #tpu.memory_space<vmem>>
        %get3A_496 = arith.index_cast %scan3A_491 : i32 to index
        %get3A_497 = arith.constant 0 : index
        %get3A_498 = tpu.vector_load %get3A_495[%get3A_496, %get3A_497] {strides = array<i32>} : memref<100x128xf32, #tpu.memory_space<vmem>>, vector<1x16xf32>,
        %get3A_499 = vector.shape_cast %get3A_498 : vector<1x16xf32> to vector<16xf32>
        %add3A_500 = arith.addf %add3A_426, %get3A_499 : vector<16xf32>
        %get3A_501 = arith.constant 0 : i32
        %get3A_502 = arith.constant 0 : i32
        %get3A_503 = tpu.memref_slice %arg6[%scan3A_133, %get3A_501, %get3A_502] : memref<4x100x128xf32, #tpu.memory_space<vmem>> -> memref<1x100x128xf32, #tpu.memory_space<vmem>>
        %get3A_504 = tpu.memref_squeeze %get3A_503 : memref<1x100x128xf32, #tpu.memory_space<vmem>> -> memref<100x128xf32, #tpu.memory_space<vmem>>
        %get3A_505 = arith.index_cast %scan3A_491 : i32 to index
        %get3A_506 = arith.constant 16 : index
        %get3A_507 = tpu.vector_load %get3A_504[%get3A_505, %get3A_506] {strides = array<i32>} : memref<100x128xf32, #tpu.memory_space<vmem>>, vector<1x16xf32>,
        %get3A_508 = vector.shape_cast %get3A_507 : vector<1x16xf32> to vector<16xf32>
        %add3A_509 = arith.addf %add3A_435, %get3A_508 : vector<16xf32>
        %get3A_510 = arith.constant 0 : i32
        %get3A_511 = arith.constant 0 : i32
        %get3A_512 = tpu.memref_slice %arg6[%scan3A_133, %get3A_510, %get3A_511] : memref<4x100x128xf32, #tpu.memory_space<vmem>> -> memref<1x100x128xf32, #tpu.memory_space<vmem>>
        %get3A_513 = tpu.memref_squeeze %get3A_512 : memref<1x100x128xf32, #tpu.memory_space<vmem>> -> memref<100x128xf32, #tpu.memory_space<vmem>>
        %get3A_514 = arith.index_cast %scan3A_491 : i32 to index
        %get3A_515 = arith.constant 32 : index
        %get3A_516 = tpu.vector_load %get3A_513[%get3A_514, %get3A_515] {strides = array<i32>} : memref<100x128xf32, #tpu.memory_space<vmem>>, vector<1x16xf32>,
        %get3A_517 = vector.shape_cast %get3A_516 : vector<1x16xf32> to vector<16xf32>
        %add3A_518 = arith.addf %add3A_444, %get3A_517 : vector<16xf32>
        %get3A_519 = arith.constant 0 : i32
        %get3A_520 = arith.constant 0 : i32
        %get3A_521 = tpu.memref_slice %arg6[%scan3A_133, %get3A_519, %get3A_520] : memref<4x100x128xf32, #tpu.memory_space<vmem>> -> memref<1x100x128xf32, #tpu.memory_space<vmem>>
        %get3A_522 = tpu.memref_squeeze %get3A_521 : memref<1x100x128xf32, #tpu.memory_space<vmem>> -> memref<100x128xf32, #tpu.memory_space<vmem>>
        %get3A_523 = arith.index_cast %scan3A_491 : i32 to index
        %get3A_524 = arith.constant 48 : index
        %get3A_525 = tpu.vector_load %get3A_522[%get3A_523, %get3A_524] {strides = array<i32>} : memref<100x128xf32, #tpu.memory_space<vmem>>, vector<1x16xf32>,
        %get3A_526 = vector.shape_cast %get3A_525 : vector<1x16xf32> to vector<16xf32>
        %add3A_527 = arith.addf %add3A_453, %get3A_526 : vector<16xf32>
        %get3A_528 = arith.constant 0 : i32
        %get3A_529 = arith.constant 0 : i32
        %get3A_530 = tpu.memref_slice %arg6[%scan3A_133, %get3A_528, %get3A_529] : memref<4x100x128xf32, #tpu.memory_space<vmem>> -> memref<1x100x128xf32, #tpu.memory_space<vmem>>
        %get3A_531 = tpu.memref_squeeze %get3A_530 : memref<1x100x128xf32, #tpu.memory_space<vmem>> -> memref<100x128xf32, #tpu.memory_space<vmem>>
        %get3A_532 = arith.index_cast %scan3A_491 : i32 to index
        %get3A_533 = arith.constant 64 : index
        %get3A_534 = tpu.vector_load %get3A_531[%get3A_532, %get3A_533] {strides = array<i32>} : memref<100x128xf32, #tpu.memory_space<vmem>>, vector<1x16xf32>,
        %get3A_535 = vector.shape_cast %get3A_534 : vector<1x16xf32> to vector<16xf32>
        %add3A_536 = arith.addf %add3A_462, %get3A_535 : vector<16xf32>
        %get3A_537 = arith.constant 0 : i32
        %get3A_538 = arith.constant 0 : i32
        %get3A_539 = tpu.memref_slice %arg6[%scan3A_133, %get3A_537, %get3A_538] : memref<4x100x128xf32, #tpu.memory_space<vmem>> -> memref<1x100x128xf32, #tpu.memory_space<vmem>>
        %get3A_540 = tpu.memref_squeeze %get3A_539 : memref<1x100x128xf32, #tpu.memory_space<vmem>> -> memref<100x128xf32, #tpu.memory_space<vmem>>
        %get3A_541 = arith.index_cast %scan3A_491 : i32 to index
        %get3A_542 = arith.constant 80 : index
        %get3A_543 = tpu.vector_load %get3A_540[%get3A_541, %get3A_542] {strides = array<i32>} : memref<100x128xf32, #tpu.memory_space<vmem>>, vector<1x16xf32>,
        %get3A_544 = vector.shape_cast %get3A_543 : vector<1x16xf32> to vector<16xf32>
        %add3A_545 = arith.addf %add3A_471, %get3A_544 : vector<16xf32>
        %get3A_546 = arith.constant 0 : i32
        %get3A_547 = arith.constant 0 : i32
        %get3A_548 = tpu.memref_slice %arg6[%scan3A_133, %get3A_546, %get3A_547] : memref<4x100x128xf32, #tpu.memory_space<vmem>> -> memref<1x100x128xf32, #tpu.memory_space<vmem>>
        %get3A_549 = tpu.memref_squeeze %get3A_548 : memref<1x100x128xf32, #tpu.memory_space<vmem>> -> memref<100x128xf32, #tpu.memory_space<vmem>>
        %get3A_550 = arith.index_cast %scan3A_491 : i32 to index
        %get3A_551 = arith.constant 96 : index
        %get3A_552 = tpu.vector_load %get3A_549[%get3A_550, %get3A_551] {strides = array<i32>} : memref<100x128xf32, #tpu.memory_space<vmem>>, vector<1x16xf32>,
        %get3A_553 = vector.shape_cast %get3A_552 : vector<1x16xf32> to vector<16xf32>
        %add3A_554 = arith.addf %add3A_480, %get3A_553 : vector<16xf32>
        %get3A_555 = arith.constant 0 : i32
        %get3A_556 = arith.constant 0 : i32
        %get3A_557 = tpu.memref_slice %arg6[%scan3A_133, %get3A_555, %get3A_556] : memref<4x100x128xf32, #tpu.memory_space<vmem>> -> memref<1x100x128xf32, #tpu.memory_space<vmem>>
        %get3A_558 = tpu.memref_squeeze %get3A_557 : memref<1x100x128xf32, #tpu.memory_space<vmem>> -> memref<100x128xf32, #tpu.memory_space<vmem>>
        %get3A_559 = arith.index_cast %scan3A_491 : i32 to index
        %get3A_560 = arith.constant 112 : index
        %get3A_561 = tpu.vector_load %get3A_558[%get3A_559, %get3A_560] {strides = array<i32>} : memref<100x128xf32, #tpu.memory_space<vmem>>, vector<1x16xf32>,
        %get3A_562 = vector.shape_cast %get3A_561 : vector<1x16xf32> to vector<16xf32>
        %add3A_563 = arith.addf %add3A_489, %get3A_562 : vector<16xf32>
        %scan3A_564 = arith.constant 3 : i32
        %scan3A_565 = arith.addi %scan3A_336, %scan3A_564 : i32
        %get3A_566 = arith.constant 0 : i32
        %get3A_567 = arith.constant 0 : i32
        %get3A_568 = tpu.memref_slice %arg6[%scan3A_133, %get3A_566, %get3A_567] : memref<4x100x128xf32, #tpu.memory_space<vmem>> -> memref<1x100x128xf32, #tpu.memory_space<vmem>>
        %get3A_569 = tpu.memref_squeeze %get3A_568 : memref<1x100x128xf32, #tpu.memory_space<vmem>> -> memref<100x128xf32, #tpu.memory_space<vmem>>
        %get3A_570 = arith.index_cast %scan3A_565 : i32 to index
        %get3A_571 = arith.constant 0 : index
        %get3A_572 = tpu.vector_load %get3A_569[%get3A_570, %get3A_571] {strides = array<i32>} : memref<100x128xf32, #tpu.memory_space<vmem>>, vector<1x16xf32>,
        %get3A_573 = vector.shape_cast %get3A_572 : vector<1x16xf32> to vector<16xf32>
        %add3A_574 = arith.addf %add3A_500, %get3A_573 : vector<16xf32>
        %get3A_575 = arith.constant 0 : i32
        %get3A_576 = arith.constant 0 : i32
        %get3A_577 = tpu.memref_slice %arg6[%scan3A_133, %get3A_575, %get3A_576] : memref<4x100x128xf32, #tpu.memory_space<vmem>> -> memref<1x100x128xf32, #tpu.memory_space<vmem>>
        %get3A_578 = tpu.memref_squeeze %get3A_577 : memref<1x100x128xf32, #tpu.memory_space<vmem>> -> memref<100x128xf32, #tpu.memory_space<vmem>>
        %get3A_579 = arith.index_cast %scan3A_565 : i32 to index
        %get3A_580 = arith.constant 16 : index
        %get3A_581 = tpu.vector_load %get3A_578[%get3A_579, %get3A_580] {strides = array<i32>} : memref<100x128xf32, #tpu.memory_space<vmem>>, vector<1x16xf32>,
        %get3A_582 = vector.shape_cast %get3A_581 : vector<1x16xf32> to vector<16xf32>
        %add3A_583 = arith.addf %add3A_509, %get3A_582 : vector<16xf32>
        %get3A_584 = arith.constant 0 : i32
        %get3A_585 = arith.constant 0 : i32
        %get3A_586 = tpu.memref_slice %arg6[%scan3A_133, %get3A_584, %get3A_585] : memref<4x100x128xf32, #tpu.memory_space<vmem>> -> memref<1x100x128xf32, #tpu.memory_space<vmem>>
        %get3A_587 = tpu.memref_squeeze %get3A_586 : memref<1x100x128xf32, #tpu.memory_space<vmem>> -> memref<100x128xf32, #tpu.memory_space<vmem>>
        %get3A_588 = arith.index_cast %scan3A_565 : i32 to index
        %get3A_589 = arith.constant 32 : index
        %get3A_590 = tpu.vector_load %get3A_587[%get3A_588, %get3A_589] {strides = array<i32>} : memref<100x128xf32, #tpu.memory_space<vmem>>, vector<1x16xf32>,
        %get3A_591 = vector.shape_cast %get3A_590 : vector<1x16xf32> to vector<16xf32>
        %add3A_592 = arith.addf %add3A_518, %get3A_591 : vector<16xf32>
        %get3A_593 = arith.constant 0 : i32
        %get3A_594 = arith.constant 0 : i32
        %get3A_595 = tpu.memref_slice %arg6[%scan3A_133, %get3A_593, %get3A_594] : memref<4x100x128xf32, #tpu.memory_space<vmem>> -> memref<1x100x128xf32, #tpu.memory_space<vmem>>
        %get3A_596 = tpu.memref_squeeze %get3A_595 : memref<1x100x128xf32, #tpu.memory_space<vmem>> -> memref<100x128xf32, #tpu.memory_space<vmem>>
        %get3A_597 = arith.index_cast %scan3A_565 : i32 to index
        %get3A_598 = arith.constant 48 : index
        %get3A_599 = tpu.vector_load %get3A_596[%get3A_597, %get3A_598] {strides = array<i32>} : memref<100x128xf32, #tpu.memory_space<vmem>>, vector<1x16xf32>,
        %get3A_600 = vector.shape_cast %get3A_599 : vector<1x16xf32> to vector<16xf32>
        %add3A_601 = arith.addf %add3A_527, %get3A_600 : vector<16xf32>
        %get3A_602 = arith.constant 0 : i32
        %get3A_603 = arith.constant 0 : i32
        %get3A_604 = tpu.memref_slice %arg6[%scan3A_133, %get3A_602, %get3A_603] : memref<4x100x128xf32, #tpu.memory_space<vmem>> -> memref<1x100x128xf32, #tpu.memory_space<vmem>>
        %get3A_605 = tpu.memref_squeeze %get3A_604 : memref<1x100x128xf32, #tpu.memory_space<vmem>> -> memref<100x128xf32, #tpu.memory_space<vmem>>
        %get3A_606 = arith.index_cast %scan3A_565 : i32 to index
        %get3A_607 = arith.constant 64 : index
        %get3A_608 = tpu.vector_load %get3A_605[%get3A_606, %get3A_607] {strides = array<i32>} : memref<100x128xf32, #tpu.memory_space<vmem>>, vector<1x16xf32>,
        %get3A_609 = vector.shape_cast %get3A_608 : vector<1x16xf32> to vector<16xf32>
        %add3A_610 = arith.addf %add3A_536, %get3A_609 : vector<16xf32>
        %get3A_611 = arith.constant 0 : i32
        %get3A_612 = arith.constant 0 : i32
        %get3A_613 = tpu.memref_slice %arg6[%scan3A_133, %get3A_611, %get3A_612] : memref<4x100x128xf32, #tpu.memory_space<vmem>> -> memref<1x100x128xf32, #tpu.memory_space<vmem>>
        %get3A_614 = tpu.memref_squeeze %get3A_613 : memref<1x100x128xf32, #tpu.memory_space<vmem>> -> memref<100x128xf32, #tpu.memory_space<vmem>>
        %get3A_615 = arith.index_cast %scan3A_565 : i32 to index
        %get3A_616 = arith.constant 80 : index
        %get3A_617 = tpu.vector_load %get3A_614[%get3A_615, %get3A_616] {strides = array<i32>} : memref<100x128xf32, #tpu.memory_space<vmem>>, vector<1x16xf32>,
        %get3A_618 = vector.shape_cast %get3A_617 : vector<1x16xf32> to vector<16xf32>
        %add3A_619 = arith.addf %add3A_545, %get3A_618 : vector<16xf32>
        %get3A_620 = arith.constant 0 : i32
        %get3A_621 = arith.constant 0 : i32
        %get3A_622 = tpu.memref_slice %arg6[%scan3A_133, %get3A_620, %get3A_621] : memref<4x100x128xf32, #tpu.memory_space<vmem>> -> memref<1x100x128xf32, #tpu.memory_space<vmem>>
        %get3A_623 = tpu.memref_squeeze %get3A_622 : memref<1x100x128xf32, #tpu.memory_space<vmem>> -> memref<100x128xf32, #tpu.memory_space<vmem>>
        %get3A_624 = arith.index_cast %scan3A_565 : i32 to index
        %get3A_625 = arith.constant 96 : index
        %get3A_626 = tpu.vector_load %get3A_623[%get3A_624, %get3A_625] {strides = array<i32>} : memref<100x128xf32, #tpu.memory_space<vmem>>, vector<1x16xf32>,
        %get3A_627 = vector.shape_cast %get3A_626 : vector<1x16xf32> to vector<16xf32>
        %add3A_628 = arith.addf %add3A_554, %get3A_627 : vector<16xf32>
        %get3A_629 = arith.constant 0 : i32
        %get3A_630 = arith.constant 0 : i32
        %get3A_631 = tpu.memref_slice %arg6[%scan3A_133, %get3A_629, %get3A_630] : memref<4x100x128xf32, #tpu.memory_space<vmem>> -> memref<1x100x128xf32, #tpu.memory_space<vmem>>
        %get3A_632 = tpu.memref_squeeze %get3A_631 : memref<1x100x128xf32, #tpu.memory_space<vmem>> -> memref<100x128xf32, #tpu.memory_space<vmem>>
        %get3A_633 = arith.index_cast %scan3A_565 : i32 to index
        %get3A_634 = arith.constant 112 : index
        %get3A_635 = tpu.vector_load %get3A_632[%get3A_633, %get3A_634] {strides = array<i32>} : memref<100x128xf32, #tpu.memory_space<vmem>>, vector<1x16xf32>,
        %get3A_636 = vector.shape_cast %get3A_635 : vector<1x16xf32> to vector<16xf32>
        %add3A_637 = arith.addf %add3A_563, %get3A_636 : vector<16xf32>
        scf.yield %add3A_574, %add3A_583, %add3A_592, %add3A_601, %add3A_610, %add3A_619, %add3A_628, %add3A_637 : vector<16xf32>, vector<16xf32>, vector<16xf32>, vector<16xf32>, vector<16xf32>, vector<16xf32>, vector<16xf32>, vector<16xf32>
      }
      %scan3A_139 = arith.constant 100 : i32
      %add3A_140 = arith.addf %scan3A_96#0, %scan3A_138#0 : vector<16xf32>
      %add3A_141 = arith.addf %scan3A_96#1, %scan3A_138#1 : vector<16xf32>
      %add3A_142 = arith.addf %scan3A_96#2, %scan3A_138#2 : vector<16xf32>
      %add3A_143 = arith.addf %scan3A_96#3, %scan3A_138#3 : vector<16xf32>
      %add3A_144 = arith.addf %scan3A_96#4, %scan3A_138#4 : vector<16xf32>
      %add3A_145 = arith.addf %scan3A_96#5, %scan3A_138#5 : vector<16xf32>
      %add3A_146 = arith.addf %scan3A_96#6, %scan3A_138#6 : vector<16xf32>
      %add3A_147 = arith.addf %scan3A_96#7, %scan3A_138#7 : vector<16xf32>
      %add3A_148 = arith.constant 4 : i32
      %add3A_149 = arith.addi %add3A_105, %add3A_148 : i32
      %lt3A_150 = arith.constant 256 : i32
      %lt3A_151 = arith.cmpi slt, %add3A_149, %lt3A_150 : i32
      %convert_element_type3A_152 = arith.extui %lt3A_151 : i1 to i32
      %cond3A_153 = arith.constant 0 : i32
      %cond3A_154 = arith.cmpi ne, %convert_element_type3A_152, %cond3A_153 : i32
      scf.if %cond3A_154 {
        %dma_start3A_336 = arith.constant 1 : i32
        %dma_start3A_337 = arith.constant 0 : i32
        %dma_start3A_338 = arith.constant 0 : i32
        %dma_start3A_339 = tpu.memref_slice %arg6[%dma_start3A_336, %dma_start3A_337, %dma_start3A_338] : memref<4x100x128xf32, #tpu.memory_space<vmem>> -> memref<1x48x128xf32, #tpu.memory_space<vmem>>
        %dma_start3A_340 = tpu.memref_squeeze %dma_start3A_339 : memref<1x48x128xf32, #tpu.memory_space<vmem>> -> memref<48x128xf32, #tpu.memory_space<vmem>>
        %dma_start3A_341 = arith.constant 0 : i32
        %dma_start3A_342 = tpu.memref_slice %arg5[%add3A_149, %dma_start3A_341] : memref<256x100xi32, #tpu.memory_space<vmem>> -> memref<1x48xi32, #tpu.memory_space<vmem>>
        %dma_start3A_343 = tpu.memref_squeeze %dma_start3A_342 : memref<1x48xi32, #tpu.memory_space<vmem>> -> memref<48xi32, #tpu.memory_space<vmem>>
        %dma_start3A_344 = arith.constant 0 : i32
        %dma_start3A_345 = arith.constant 0 : i32
        %dma_start3A_346 = tpu.memref_slice %arg3[%dma_start3A_344, %dma_start3A_345] : memref<100000x128xf32, #tpu.memory_space<hbm>> -> memref<100000x128xf32, #tpu.memory_space<hbm>>
        tpu.enqueue_indirect_dma source(%dma_start3A_346 : memref<100000x128xf32, #tpu.memory_space<hbm>>) target(%dma_start3A_340 : memref<48x128xf32, #tpu.memory_space<vmem>>) offsets(%dma_start3A_343 : memref<48xi32, #tpu.memory_space<vmem>>) semaphore(%arg9 : memref<!tpu.dma_semaphore, #tpu.memory_space<semaphore_mem>>)
      } else {
      }
      %swap3A = arith.index_cast %add3A_61 : i32 to index
      %swap3A_155 = arith.constant 0 : index
      %swap3A_156 = tpu.vector_load %arg7[%swap3A, %swap3A_155] {strides = array<i32>} : memref<128x128xf32, #tpu.memory_space<vmem>>, vector<1x16xf32>,
      %swap3A_157 = vector.shape_cast %swap3A_156 : vector<1x16xf32> to vector<16xf32>
      %swap3A_158 = vector.shape_cast %add3A_140 : vector<16xf32> to vector<1x16xf32>
      tpu.vector_store %arg7[%swap3A, %swap3A_155], %swap3A_158 {strides = array<i32>} : memref<128x128xf32, #tpu.memory_space<vmem>>, vector<1x16xf32>,
      %swap3A_159 = arith.index_cast %add3A_61 : i32 to index
      %swap3A_160 = arith.constant 16 : index
      %swap3A_161 = tpu.vector_load %arg7[%swap3A_159, %swap3A_160] {strides = array<i32>} : memref<128x128xf32, #tpu.memory_space<vmem>>, vector<1x16xf32>,
      %swap3A_162 = vector.shape_cast %swap3A_161 : vector<1x16xf32> to vector<16xf32>
      %swap3A_163 = vector.shape_cast %add3A_141 : vector<16xf32> to vector<1x16xf32>
      tpu.vector_store %arg7[%swap3A_159, %swap3A_160], %swap3A_163 {strides = array<i32>} : memref<128x128xf32, #tpu.memory_space<vmem>>, vector<1x16xf32>,
      %swap3A_164 = arith.index_cast %add3A_61 : i32 to index
      %swap3A_165 = arith.constant 32 : index
      %swap3A_166 = tpu.vector_load %arg7[%swap3A_164, %swap3A_165] {strides = array<i32>} : memref<128x128xf32, #tpu.memory_space<vmem>>, vector<1x16xf32>,
      %swap3A_167 = vector.shape_cast %swap3A_166 : vector<1x16xf32> to vector<16xf32>
      %swap3A_168 = vector.shape_cast %add3A_142 : vector<16xf32> to vector<1x16xf32>
      tpu.vector_store %arg7[%swap3A_164, %swap3A_165], %swap3A_168 {strides = array<i32>} : memref<128x128xf32, #tpu.memory_space<vmem>>, vector<1x16xf32>,
      %swap3A_169 = arith.index_cast %add3A_61 : i32 to index
      %swap3A_170 = arith.constant 48 : index
      %swap3A_171 = tpu.vector_load %arg7[%swap3A_169, %swap3A_170] {strides = array<i32>} : memref<128x128xf32, #tpu.memory_space<vmem>>, vector<1x16xf32>,
      %swap3A_172 = vector.shape_cast %swap3A_171 : vector<1x16xf32> to vector<16xf32>
      %swap3A_173 = vector.shape_cast %add3A_143 : vector<16xf32> to vector<1x16xf32>
      tpu.vector_store %arg7[%swap3A_169, %swap3A_170], %swap3A_173 {strides = array<i32>} : memref<128x128xf32, #tpu.memory_space<vmem>>, vector<1x16xf32>,
      %swap3A_174 = arith.index_cast %add3A_61 : i32 to index
      %swap3A_175 = arith.constant 64 : index
      %swap3A_176 = tpu.vector_load %arg7[%swap3A_174, %swap3A_175] {strides = array<i32>} : memref<128x128xf32, #tpu.memory_space<vmem>>, vector<1x16xf32>,
      %swap3A_177 = vector.shape_cast %swap3A_176 : vector<1x16xf32> to vector<16xf32>
      %swap3A_178 = vector.shape_cast %add3A_144 : vector<16xf32> to vector<1x16xf32>
      tpu.vector_store %arg7[%swap3A_174, %swap3A_175], %swap3A_178 {strides = array<i32>} : memref<128x128xf32, #tpu.memory_space<vmem>>, vector<1x16xf32>,
      %swap3A_179 = arith.index_cast %add3A_61 : i32 to index
      %swap3A_180 = arith.constant 80 : index
      %swap3A_181 = tpu.vector_load %arg7[%swap3A_179, %swap3A_180] {strides = array<i32>} : memref<128x128xf32, #tpu.memory_space<vmem>>, vector<1x16xf32>,
      %swap3A_182 = vector.shape_cast %swap3A_181 : vector<1x16xf32> to vector<16xf32>
      %swap3A_183 = vector.shape_cast %add3A_145 : vector<16xf32> to vector<1x16xf32>
      tpu.vector_store %arg7[%swap3A_179, %swap3A_180], %swap3A_183 {strides = array<i32>} : memref<128x128xf32, #tpu.memory_space<vmem>>, vector<1x16xf32>,
      %swap3A_184 = arith.index_cast %add3A_61 : i32 to index
      %swap3A_185 = arith.constant 96 : index
      %swap3A_186 = tpu.vector_load %arg7[%swap3A_184, %swap3A_185] {strides = array<i32>} : memref<128x128xf32, #tpu.memory_space<vmem>>, vector<1x16xf32>,
      %swap3A_187 = vector.shape_cast %swap3A_186 : vector<1x16xf32> to vector<16xf32>
      %swap3A_188 = vector.shape_cast %add3A_146 : vector<16xf32> to vector<1x16xf32>
      tpu.vector_store %arg7[%swap3A_184, %swap3A_185], %swap3A_188 {strides = array<i32>} : memref<128x128xf32, #tpu.memory_space<vmem>>, vector<1x16xf32>,
      %swap3A_189 = arith.index_cast %add3A_61 : i32 to index
      %swap3A_190 = arith.constant 112 : index
      %swap3A_191 = tpu.vector_load %arg7[%swap3A_189, %swap3A_190] {strides = array<i32>} : memref<128x128xf32, #tpu.memory_space<vmem>>, vector<1x16xf32>,
      %swap3A_192 = vector.shape_cast %swap3A_191 : vector<1x16xf32> to vector<16xf32>
      %swap3A_193 = vector.shape_cast %add3A_147 : vector<16xf32> to vector<1x16xf32>
      tpu.vector_store %arg7[%swap3A_189, %swap3A_190], %swap3A_193 {strides = array<i32>} : memref<128x128xf32, #tpu.memory_space<vmem>>, vector<1x16xf32>,
      %mul3A_194 = arith.constant 2 : i32
      %mul3A_195 = arith.muli %mul3A_194, %scan3A_57 : i32
      %add3A_196 = arith.constant 1 : i32
      %add3A_197 = arith.addi %mul3A_195, %add3A_196 : i32
      %mul3A_198 = arith.constant 4 : i32
      %mul3A_199 = arith.muli %mul3A_198, %scan3A_57 : i32
      %add3A_200 = arith.constant 2 : i32
      %add3A_201 = arith.addi %mul3A_199, %add3A_200 : i32
      %dma_wait3A_202 = arith.constant 2 : i32
      %dma_wait3A_203 = arith.constant 0 : i32
      %dma_wait3A_204 = arith.constant 0 : i32
      %dma_wait3A_205 = tpu.memref_slice %arg6[%dma_wait3A_202, %dma_wait3A_203, %dma_wait3A_204] : memref<4x100x128xf32, #tpu.memory_space<vmem>> -> memref<1x48x128xf32, #tpu.memory_space<vmem>>
      %dma_wait3A_206 = tpu.memref_squeeze %dma_wait3A_205 : memref<1x48x128xf32, #tpu.memory_space<vmem>> -> memref<48x128xf32, #tpu.memory_space<vmem>>
      %dma_wait3A_207 = arith.constant 0 : i32
      %dma_wait3A_208 = tpu.memref_slice %arg5[%add3A_201, %dma_wait3A_207] : memref<256x100xi32, #tpu.memory_space<vmem>> -> memref<1x48xi32, #tpu.memory_space<vmem>>
      %dma_wait3A_209 = tpu.memref_squeeze %dma_wait3A_208 : memref<1x48xi32, #tpu.memory_space<vmem>> -> memref<48xi32, #tpu.memory_space<vmem>>
      %dma_wait3A_210 = arith.constant 0 : i32
      %dma_wait3A_211 = arith.constant 0 : i32
      %dma_wait3A_212 = tpu.memref_slice %arg3[%dma_wait3A_210, %dma_wait3A_211] : memref<100000x128xf32, #tpu.memory_space<hbm>> -> memref<100000x128xf32, #tpu.memory_space<hbm>>
      tpu.wait_indirect_dma semaphore(%arg10 : memref<!tpu.dma_semaphore, #tpu.memory_space<semaphore_mem>>) src(%dma_wait3A_212 : memref<100000x128xf32, #tpu.memory_space<hbm>>) dst(%dma_wait3A_206 : memref<48x128xf32, #tpu.memory_space<vmem>>)
      %broadcast_in_dim3A_213 = arith.constant 0.000000e+00 : f32
      %broadcast_in_dim3A_214 = vector.broadcast %broadcast_in_dim3A_213 : f32 to vector<16xf32>
      %broadcast_in_dim3A_215 = arith.constant 0.000000e+00 : f32
      %broadcast_in_dim3A_216 = vector.broadcast %broadcast_in_dim3A_215 : f32 to vector<16xf32>
      %broadcast_in_dim3A_217 = arith.constant 0.000000e+00 : f32
      %broadcast_in_dim3A_218 = vector.broadcast %broadcast_in_dim3A_217 : f32 to vector<16xf32>
      %broadcast_in_dim3A_219 = arith.constant 0.000000e+00 : f32
      %broadcast_in_dim3A_220 = vector.broadcast %broadcast_in_dim3A_219 : f32 to vector<16xf32>
      %broadcast_in_dim3A_221 = arith.constant 0.000000e+00 : f32
      %broadcast_in_dim3A_222 = vector.broadcast %broadcast_in_dim3A_221 : f32 to vector<16xf32>
      %broadcast_in_dim3A_223 = arith.constant 0.000000e+00 : f32
      %broadcast_in_dim3A_224 = vector.broadcast %broadcast_in_dim3A_223 : f32 to vector<16xf32>
      %broadcast_in_dim3A_225 = arith.constant 0.000000e+00 : f32
      %broadcast_in_dim3A_226 = vector.broadcast %broadcast_in_dim3A_225 : f32 to vector<16xf32>
      %broadcast_in_dim3A_227 = arith.constant 0.000000e+00 : f32
      %broadcast_in_dim3A_228 = vector.broadcast %broadcast_in_dim3A_227 : f32 to vector<16xf32>
      %scan3A_229 = arith.constant 2 : i32
      %scan3A_230 = arith.constant 0 : i32
      %scan3A_231 = arith.constant 100 : i32
      %scan3A_232 = arith.addi %scan3A_230, %scan3A_231 : i32
      %scan3A_233 = arith.constant 4 : i32
      %scan3A_234:8 = scf.for %scan3A_336 = %scan3A_230 to %scan3A_232 step %scan3A_233 iter_args(%scan3A_337 = %broadcast_in_dim3A_214, %scan3A_338 = %broadcast_in_dim3A_216, %scan3A_339 = %broadcast_in_dim3A_218, %scan3A_340 = %broadcast_in_dim3A_220, %scan3A_341 = %broadcast_in_dim3A_222, %scan3A_342 = %broadcast_in_dim3A_224, %scan3A_343 = %broadcast_in_dim3A_226, %scan3A_344 = %broadcast_in_dim3A_228) -> (vector<16xf32>, vector<16xf32>, vector<16xf32>, vector<16xf32>, vector<16xf32>, vector<16xf32>, vector<16xf32>, vector<16xf32>)  : i32 {
        %get3A = arith.constant 0 : i32
        %get3A_345 = arith.constant 0 : i32
        %get3A_346 = tpu.memref_slice %arg6[%scan3A_229, %get3A, %get3A_345] : memref<4x100x128xf32, #tpu.memory_space<vmem>> -> memref<1x100x128xf32, #tpu.memory_space<vmem>>
        %get3A_347 = tpu.memref_squeeze %get3A_346 : memref<1x100x128xf32, #tpu.memory_space<vmem>> -> memref<100x128xf32, #tpu.memory_space<vmem>>
        %get3A_348 = arith.index_cast %scan3A_336 : i32 to index
        %get3A_349 = arith.constant 0 : index
        %get3A_350 = tpu.vector_load %get3A_347[%get3A_348, %get3A_349] {strides = array<i32>} : memref<100x128xf32, #tpu.memory_space<vmem>>, vector<1x16xf32>,
        %get3A_351 = vector.shape_cast %get3A_350 : vector<1x16xf32> to vector<16xf32>
        %add3A_352 = arith.addf %scan3A_337, %get3A_351 : vector<16xf32>
        %get3A_353 = arith.constant 0 : i32
        %get3A_354 = arith.constant 0 : i32
        %get3A_355 = tpu.memref_slice %arg6[%scan3A_229, %get3A_353, %get3A_354] : memref<4x100x128xf32, #tpu.memory_space<vmem>> -> memref<1x100x128xf32, #tpu.memory_space<vmem>>
        %get3A_356 = tpu.memref_squeeze %get3A_355 : memref<1x100x128xf32, #tpu.memory_space<vmem>> -> memref<100x128xf32, #tpu.memory_space<vmem>>
        %get3A_357 = arith.index_cast %scan3A_336 : i32 to index
        %get3A_358 = arith.constant 16 : index
        %get3A_359 = tpu.vector_load %get3A_356[%get3A_357, %get3A_358] {strides = array<i32>} : memref<100x128xf32, #tpu.memory_space<vmem>>, vector<1x16xf32>,
        %get3A_360 = vector.shape_cast %get3A_359 : vector<1x16xf32> to vector<16xf32>
        %add3A_361 = arith.addf %scan3A_338, %get3A_360 : vector<16xf32>
        %get3A_362 = arith.constant 0 : i32
        %get3A_363 = arith.constant 0 : i32
        %get3A_364 = tpu.memref_slice %arg6[%scan3A_229, %get3A_362, %get3A_363] : memref<4x100x128xf32, #tpu.memory_space<vmem>> -> memref<1x100x128xf32, #tpu.memory_space<vmem>>
        %get3A_365 = tpu.memref_squeeze %get3A_364 : memref<1x100x128xf32, #tpu.memory_space<vmem>> -> memref<100x128xf32, #tpu.memory_space<vmem>>
        %get3A_366 = arith.index_cast %scan3A_336 : i32 to index
        %get3A_367 = arith.constant 32 : index
        %get3A_368 = tpu.vector_load %get3A_365[%get3A_366, %get3A_367] {strides = array<i32>} : memref<100x128xf32, #tpu.memory_space<vmem>>, vector<1x16xf32>,
        %get3A_369 = vector.shape_cast %get3A_368 : vector<1x16xf32> to vector<16xf32>
        %add3A_370 = arith.addf %scan3A_339, %get3A_369 : vector<16xf32>
        %get3A_371 = arith.constant 0 : i32
        %get3A_372 = arith.constant 0 : i32
        %get3A_373 = tpu.memref_slice %arg6[%scan3A_229, %get3A_371, %get3A_372] : memref<4x100x128xf32, #tpu.memory_space<vmem>> -> memref<1x100x128xf32, #tpu.memory_space<vmem>>
        %get3A_374 = tpu.memref_squeeze %get3A_373 : memref<1x100x128xf32, #tpu.memory_space<vmem>> -> memref<100x128xf32, #tpu.memory_space<vmem>>
        %get3A_375 = arith.index_cast %scan3A_336 : i32 to index
        %get3A_376 = arith.constant 48 : index
        %get3A_377 = tpu.vector_load %get3A_374[%get3A_375, %get3A_376] {strides = array<i32>} : memref<100x128xf32, #tpu.memory_space<vmem>>, vector<1x16xf32>,
        %get3A_378 = vector.shape_cast %get3A_377 : vector<1x16xf32> to vector<16xf32>
        %add3A_379 = arith.addf %scan3A_340, %get3A_378 : vector<16xf32>
        %get3A_380 = arith.constant 0 : i32
        %get3A_381 = arith.constant 0 : i32
        %get3A_382 = tpu.memref_slice %arg6[%scan3A_229, %get3A_380, %get3A_381] : memref<4x100x128xf32, #tpu.memory_space<vmem>> -> memref<1x100x128xf32, #tpu.memory_space<vmem>>
        %get3A_383 = tpu.memref_squeeze %get3A_382 : memref<1x100x128xf32, #tpu.memory_space<vmem>> -> memref<100x128xf32, #tpu.memory_space<vmem>>
        %get3A_384 = arith.index_cast %scan3A_336 : i32 to index
        %get3A_385 = arith.constant 64 : index
        %get3A_386 = tpu.vector_load %get3A_383[%get3A_384, %get3A_385] {strides = array<i32>} : memref<100x128xf32, #tpu.memory_space<vmem>>, vector<1x16xf32>,
        %get3A_387 = vector.shape_cast %get3A_386 : vector<1x16xf32> to vector<16xf32>
        %add3A_388 = arith.addf %scan3A_341, %get3A_387 : vector<16xf32>
        %get3A_389 = arith.constant 0 : i32
        %get3A_390 = arith.constant 0 : i32
        %get3A_391 = tpu.memref_slice %arg6[%scan3A_229, %get3A_389, %get3A_390] : memref<4x100x128xf32, #tpu.memory_space<vmem>> -> memref<1x100x128xf32, #tpu.memory_space<vmem>>
        %get3A_392 = tpu.memref_squeeze %get3A_391 : memref<1x100x128xf32, #tpu.memory_space<vmem>> -> memref<100x128xf32, #tpu.memory_space<vmem>>
        %get3A_393 = arith.index_cast %scan3A_336 : i32 to index
        %get3A_394 = arith.constant 80 : index
        %get3A_395 = tpu.vector_load %get3A_392[%get3A_393, %get3A_394] {strides = array<i32>} : memref<100x128xf32, #tpu.memory_space<vmem>>, vector<1x16xf32>,
        %get3A_396 = vector.shape_cast %get3A_395 : vector<1x16xf32> to vector<16xf32>
        %add3A_397 = arith.addf %scan3A_342, %get3A_396 : vector<16xf32>
        %get3A_398 = arith.constant 0 : i32
        %get3A_399 = arith.constant 0 : i32
        %get3A_400 = tpu.memref_slice %arg6[%scan3A_229, %get3A_398, %get3A_399] : memref<4x100x128xf32, #tpu.memory_space<vmem>> -> memref<1x100x128xf32, #tpu.memory_space<vmem>>
        %get3A_401 = tpu.memref_squeeze %get3A_400 : memref<1x100x128xf32, #tpu.memory_space<vmem>> -> memref<100x128xf32, #tpu.memory_space<vmem>>
        %get3A_402 = arith.index_cast %scan3A_336 : i32 to index
        %get3A_403 = arith.constant 96 : index
        %get3A_404 = tpu.vector_load %get3A_401[%get3A_402, %get3A_403] {strides = array<i32>} : memref<100x128xf32, #tpu.memory_space<vmem>>, vector<1x16xf32>,
        %get3A_405 = vector.shape_cast %get3A_404 : vector<1x16xf32> to vector<16xf32>
        %add3A_406 = arith.addf %scan3A_343, %get3A_405 : vector<16xf32>
        %get3A_407 = arith.constant 0 : i32
        %get3A_408 = arith.constant 0 : i32
        %get3A_409 = tpu.memref_slice %arg6[%scan3A_229, %get3A_407, %get3A_408] : memref<4x100x128xf32, #tpu.memory_space<vmem>> -> memref<1x100x128xf32, #tpu.memory_space<vmem>>
        %get3A_410 = tpu.memref_squeeze %get3A_409 : memref<1x100x128xf32, #tpu.memory_space<vmem>> -> memref<100x128xf32, #tpu.memory_space<vmem>>
        %get3A_411 = arith.index_cast %scan3A_336 : i32 to index
        %get3A_412 = arith.constant 112 : index
        %get3A_413 = tpu.vector_load %get3A_410[%get3A_411, %get3A_412] {strides = array<i32>} : memref<100x128xf32, #tpu.memory_space<vmem>>, vector<1x16xf32>,
        %get3A_414 = vector.shape_cast %get3A_413 : vector<1x16xf32> to vector<16xf32>
        %add3A_415 = arith.addf %scan3A_344, %get3A_414 : vector<16xf32>
        %scan3A_416 = arith.constant 1 : i32
        %scan3A_417 = arith.addi %scan3A_336, %scan3A_416 : i32
        %get3A_418 = arith.constant 0 : i32
        %get3A_419 = arith.constant 0 : i32
        %get3A_420 = tpu.memref_slice %arg6[%scan3A_229, %get3A_418, %get3A_419] : memref<4x100x128xf32, #tpu.memory_space<vmem>> -> memref<1x100x128xf32, #tpu.memory_space<vmem>>
        %get3A_421 = tpu.memref_squeeze %get3A_420 : memref<1x100x128xf32, #tpu.memory_space<vmem>> -> memref<100x128xf32, #tpu.memory_space<vmem>>
        %get3A_422 = arith.index_cast %scan3A_417 : i32 to index
        %get3A_423 = arith.constant 0 : index
        %get3A_424 = tpu.vector_load %get3A_421[%get3A_422, %get3A_423] {strides = array<i32>} : memref<100x128xf32, #tpu.memory_space<vmem>>, vector<1x16xf32>,
        %get3A_425 = vector.shape_cast %get3A_424 : vector<1x16xf32> to vector<16xf32>
        %add3A_426 = arith.addf %add3A_352, %get3A_425 : vector<16xf32>
        %get3A_427 = arith.constant 0 : i32
        %get3A_428 = arith.constant 0 : i32
        %get3A_429 = tpu.memref_slice %arg6[%scan3A_229, %get3A_427, %get3A_428] : memref<4x100x128xf32, #tpu.memory_space<vmem>> -> memref<1x100x128xf32, #tpu.memory_space<vmem>>
        %get3A_430 = tpu.memref_squeeze %get3A_429 : memref<1x100x128xf32, #tpu.memory_space<vmem>> -> memref<100x128xf32, #tpu.memory_space<vmem>>
        %get3A_431 = arith.index_cast %scan3A_417 : i32 to index
        %get3A_432 = arith.constant 16 : index
        %get3A_433 = tpu.vector_load %get3A_430[%get3A_431, %get3A_432] {strides = array<i32>} : memref<100x128xf32, #tpu.memory_space<vmem>>, vector<1x16xf32>,
        %get3A_434 = vector.shape_cast %get3A_433 : vector<1x16xf32> to vector<16xf32>
        %add3A_435 = arith.addf %add3A_361, %get3A_434 : vector<16xf32>
        %get3A_436 = arith.constant 0 : i32
        %get3A_437 = arith.constant 0 : i32
        %get3A_438 = tpu.memref_slice %arg6[%scan3A_229, %get3A_436, %get3A_437] : memref<4x100x128xf32, #tpu.memory_space<vmem>> -> memref<1x100x128xf32, #tpu.memory_space<vmem>>
        %get3A_439 = tpu.memref_squeeze %get3A_438 : memref<1x100x128xf32, #tpu.memory_space<vmem>> -> memref<100x128xf32, #tpu.memory_space<vmem>>
        %get3A_440 = arith.index_cast %scan3A_417 : i32 to index
        %get3A_441 = arith.constant 32 : index
        %get3A_442 = tpu.vector_load %get3A_439[%get3A_440, %get3A_441] {strides = array<i32>} : memref<100x128xf32, #tpu.memory_space<vmem>>, vector<1x16xf32>,
        %get3A_443 = vector.shape_cast %get3A_442 : vector<1x16xf32> to vector<16xf32>
        %add3A_444 = arith.addf %add3A_370, %get3A_443 : vector<16xf32>
        %get3A_445 = arith.constant 0 : i32
        %get3A_446 = arith.constant 0 : i32
        %get3A_447 = tpu.memref_slice %arg6[%scan3A_229, %get3A_445, %get3A_446] : memref<4x100x128xf32, #tpu.memory_space<vmem>> -> memref<1x100x128xf32, #tpu.memory_space<vmem>>
        %get3A_448 = tpu.memref_squeeze %get3A_447 : memref<1x100x128xf32, #tpu.memory_space<vmem>> -> memref<100x128xf32, #tpu.memory_space<vmem>>
        %get3A_449 = arith.index_cast %scan3A_417 : i32 to index
        %get3A_450 = arith.constant 48 : index
        %get3A_451 = tpu.vector_load %get3A_448[%get3A_449, %get3A_450] {strides = array<i32>} : memref<100x128xf32, #tpu.memory_space<vmem>>, vector<1x16xf32>,
        %get3A_452 = vector.shape_cast %get3A_451 : vector<1x16xf32> to vector<16xf32>
        %add3A_453 = arith.addf %add3A_379, %get3A_452 : vector<16xf32>
        %get3A_454 = arith.constant 0 : i32
        %get3A_455 = arith.constant 0 : i32
        %get3A_456 = tpu.memref_slice %arg6[%scan3A_229, %get3A_454, %get3A_455] : memref<4x100x128xf32, #tpu.memory_space<vmem>> -> memref<1x100x128xf32, #tpu.memory_space<vmem>>
        %get3A_457 = tpu.memref_squeeze %get3A_456 : memref<1x100x128xf32, #tpu.memory_space<vmem>> -> memref<100x128xf32, #tpu.memory_space<vmem>>
        %get3A_458 = arith.index_cast %scan3A_417 : i32 to index
        %get3A_459 = arith.constant 64 : index
        %get3A_460 = tpu.vector_load %get3A_457[%get3A_458, %get3A_459] {strides = array<i32>} : memref<100x128xf32, #tpu.memory_space<vmem>>, vector<1x16xf32>,
        %get3A_461 = vector.shape_cast %get3A_460 : vector<1x16xf32> to vector<16xf32>
        %add3A_462 = arith.addf %add3A_388, %get3A_461 : vector<16xf32>
        %get3A_463 = arith.constant 0 : i32
        %get3A_464 = arith.constant 0 : i32
        %get3A_465 = tpu.memref_slice %arg6[%scan3A_229, %get3A_463, %get3A_464] : memref<4x100x128xf32, #tpu.memory_space<vmem>> -> memref<1x100x128xf32, #tpu.memory_space<vmem>>
        %get3A_466 = tpu.memref_squeeze %get3A_465 : memref<1x100x128xf32, #tpu.memory_space<vmem>> -> memref<100x128xf32, #tpu.memory_space<vmem>>
        %get3A_467 = arith.index_cast %scan3A_417 : i32 to index
        %get3A_468 = arith.constant 80 : index
        %get3A_469 = tpu.vector_load %get3A_466[%get3A_467, %get3A_468] {strides = array<i32>} : memref<100x128xf32, #tpu.memory_space<vmem>>, vector<1x16xf32>,
        %get3A_470 = vector.shape_cast %get3A_469 : vector<1x16xf32> to vector<16xf32>
        %add3A_471 = arith.addf %add3A_397, %get3A_470 : vector<16xf32>
        %get3A_472 = arith.constant 0 : i32
        %get3A_473 = arith.constant 0 : i32
        %get3A_474 = tpu.memref_slice %arg6[%scan3A_229, %get3A_472, %get3A_473] : memref<4x100x128xf32, #tpu.memory_space<vmem>> -> memref<1x100x128xf32, #tpu.memory_space<vmem>>
        %get3A_475 = tpu.memref_squeeze %get3A_474 : memref<1x100x128xf32, #tpu.memory_space<vmem>> -> memref<100x128xf32, #tpu.memory_space<vmem>>
        %get3A_476 = arith.index_cast %scan3A_417 : i32 to index
        %get3A_477 = arith.constant 96 : index
        %get3A_478 = tpu.vector_load %get3A_475[%get3A_476, %get3A_477] {strides = array<i32>} : memref<100x128xf32, #tpu.memory_space<vmem>>, vector<1x16xf32>,
        %get3A_479 = vector.shape_cast %get3A_478 : vector<1x16xf32> to vector<16xf32>
        %add3A_480 = arith.addf %add3A_406, %get3A_479 : vector<16xf32>
        %get3A_481 = arith.constant 0 : i32
        %get3A_482 = arith.constant 0 : i32
        %get3A_483 = tpu.memref_slice %arg6[%scan3A_229, %get3A_481, %get3A_482] : memref<4x100x128xf32, #tpu.memory_space<vmem>> -> memref<1x100x128xf32, #tpu.memory_space<vmem>>
        %get3A_484 = tpu.memref_squeeze %get3A_483 : memref<1x100x128xf32, #tpu.memory_space<vmem>> -> memref<100x128xf32, #tpu.memory_space<vmem>>
        %get3A_485 = arith.index_cast %scan3A_417 : i32 to index
        %get3A_486 = arith.constant 112 : index
        %get3A_487 = tpu.vector_load %get3A_484[%get3A_485, %get3A_486] {strides = array<i32>} : memref<100x128xf32, #tpu.memory_space<vmem>>, vector<1x16xf32>,
        %get3A_488 = vector.shape_cast %get3A_487 : vector<1x16xf32> to vector<16xf32>
        %add3A_489 = arith.addf %add3A_415, %get3A_488 : vector<16xf32>
        %scan3A_490 = arith.constant 2 : i32
        %scan3A_491 = arith.addi %scan3A_336, %scan3A_490 : i32
        %get3A_492 = arith.constant 0 : i32
        %get3A_493 = arith.constant 0 : i32
        %get3A_494 = tpu.memref_slice %arg6[%scan3A_229, %get3A_492, %get3A_493] : memref<4x100x128xf32, #tpu.memory_space<vmem>> -> memref<1x100x128xf32, #tpu.memory_space<vmem>>
        %get3A_495 = tpu.memref_squeeze %get3A_494 : memref<1x100x128xf32, #tpu.memory_space<vmem>> -> memref<100x128xf32, #tpu.memory_space<vmem>>
        %get3A_496 = arith.index_cast %scan3A_491 : i32 to index
        %get3A_497 = arith.constant 0 : index
        %get3A_498 = tpu.vector_load %get3A_495[%get3A_496, %get3A_497] {strides = array<i32>} : memref<100x128xf32, #tpu.memory_space<vmem>>, vector<1x16xf32>,
        %get3A_499 = vector.shape_cast %get3A_498 : vector<1x16xf32> to vector<16xf32>
        %add3A_500 = arith.addf %add3A_426, %get3A_499 : vector<16xf32>
        %get3A_501 = arith.constant 0 : i32
        %get3A_502 = arith.constant 0 : i32
        %get3A_503 = tpu.memref_slice %arg6[%scan3A_229, %get3A_501, %get3A_502] : memref<4x100x128xf32, #tpu.memory_space<vmem>> -> memref<1x100x128xf32, #tpu.memory_space<vmem>>
        %get3A_504 = tpu.memref_squeeze %get3A_503 : memref<1x100x128xf32, #tpu.memory_space<vmem>> -> memref<100x128xf32, #tpu.memory_space<vmem>>
        %get3A_505 = arith.index_cast %scan3A_491 : i32 to index
        %get3A_506 = arith.constant 16 : index
        %get3A_507 = tpu.vector_load %get3A_504[%get3A_505, %get3A_506] {strides = array<i32>} : memref<100x128xf32, #tpu.memory_space<vmem>>, vector<1x16xf32>,
        %get3A_508 = vector.shape_cast %get3A_507 : vector<1x16xf32> to vector<16xf32>
        %add3A_509 = arith.addf %add3A_435, %get3A_508 : vector<16xf32>
        %get3A_510 = arith.constant 0 : i32
        %get3A_511 = arith.constant 0 : i32
        %get3A_512 = tpu.memref_slice %arg6[%scan3A_229, %get3A_510, %get3A_511] : memref<4x100x128xf32, #tpu.memory_space<vmem>> -> memref<1x100x128xf32, #tpu.memory_space<vmem>>
        %get3A_513 = tpu.memref_squeeze %get3A_512 : memref<1x100x128xf32, #tpu.memory_space<vmem>> -> memref<100x128xf32, #tpu.memory_space<vmem>>
        %get3A_514 = arith.index_cast %scan3A_491 : i32 to index
        %get3A_515 = arith.constant 32 : index
        %get3A_516 = tpu.vector_load %get3A_513[%get3A_514, %get3A_515] {strides = array<i32>} : memref<100x128xf32, #tpu.memory_space<vmem>>, vector<1x16xf32>,
        %get3A_517 = vector.shape_cast %get3A_516 : vector<1x16xf32> to vector<16xf32>
        %add3A_518 = arith.addf %add3A_444, %get3A_517 : vector<16xf32>
        %get3A_519 = arith.constant 0 : i32
        %get3A_520 = arith.constant 0 : i32
        %get3A_521 = tpu.memref_slice %arg6[%scan3A_229, %get3A_519, %get3A_520] : memref<4x100x128xf32, #tpu.memory_space<vmem>> -> memref<1x100x128xf32, #tpu.memory_space<vmem>>
        %get3A_522 = tpu.memref_squeeze %get3A_521 : memref<1x100x128xf32, #tpu.memory_space<vmem>> -> memref<100x128xf32, #tpu.memory_space<vmem>>
        %get3A_523 = arith.index_cast %scan3A_491 : i32 to index
        %get3A_524 = arith.constant 48 : index
        %get3A_525 = tpu.vector_load %get3A_522[%get3A_523, %get3A_524] {strides = array<i32>} : memref<100x128xf32, #tpu.memory_space<vmem>>, vector<1x16xf32>,
        %get3A_526 = vector.shape_cast %get3A_525 : vector<1x16xf32> to vector<16xf32>
        %add3A_527 = arith.addf %add3A_453, %get3A_526 : vector<16xf32>
        %get3A_528 = arith.constant 0 : i32
        %get3A_529 = arith.constant 0 : i32
        %get3A_530 = tpu.memref_slice %arg6[%scan3A_229, %get3A_528, %get3A_529] : memref<4x100x128xf32, #tpu.memory_space<vmem>> -> memref<1x100x128xf32, #tpu.memory_space<vmem>>
        %get3A_531 = tpu.memref_squeeze %get3A_530 : memref<1x100x128xf32, #tpu.memory_space<vmem>> -> memref<100x128xf32, #tpu.memory_space<vmem>>
        %get3A_532 = arith.index_cast %scan3A_491 : i32 to index
        %get3A_533 = arith.constant 64 : index
        %get3A_534 = tpu.vector_load %get3A_531[%get3A_532, %get3A_533] {strides = array<i32>} : memref<100x128xf32, #tpu.memory_space<vmem>>, vector<1x16xf32>,
        %get3A_535 = vector.shape_cast %get3A_534 : vector<1x16xf32> to vector<16xf32>
        %add3A_536 = arith.addf %add3A_462, %get3A_535 : vector<16xf32>
        %get3A_537 = arith.constant 0 : i32
        %get3A_538 = arith.constant 0 : i32
        %get3A_539 = tpu.memref_slice %arg6[%scan3A_229, %get3A_537, %get3A_538] : memref<4x100x128xf32, #tpu.memory_space<vmem>> -> memref<1x100x128xf32, #tpu.memory_space<vmem>>
        %get3A_540 = tpu.memref_squeeze %get3A_539 : memref<1x100x128xf32, #tpu.memory_space<vmem>> -> memref<100x128xf32, #tpu.memory_space<vmem>>
        %get3A_541 = arith.index_cast %scan3A_491 : i32 to index
        %get3A_542 = arith.constant 80 : index
        %get3A_543 = tpu.vector_load %get3A_540[%get3A_541, %get3A_542] {strides = array<i32>} : memref<100x128xf32, #tpu.memory_space<vmem>>, vector<1x16xf32>,
        %get3A_544 = vector.shape_cast %get3A_543 : vector<1x16xf32> to vector<16xf32>
        %add3A_545 = arith.addf %add3A_471, %get3A_544 : vector<16xf32>
        %get3A_546 = arith.constant 0 : i32
        %get3A_547 = arith.constant 0 : i32
        %get3A_548 = tpu.memref_slice %arg6[%scan3A_229, %get3A_546, %get3A_547] : memref<4x100x128xf32, #tpu.memory_space<vmem>> -> memref<1x100x128xf32, #tpu.memory_space<vmem>>
        %get3A_549 = tpu.memref_squeeze %get3A_548 : memref<1x100x128xf32, #tpu.memory_space<vmem>> -> memref<100x128xf32, #tpu.memory_space<vmem>>
        %get3A_550 = arith.index_cast %scan3A_491 : i32 to index
        %get3A_551 = arith.constant 96 : index
        %get3A_552 = tpu.vector_load %get3A_549[%get3A_550, %get3A_551] {strides = array<i32>} : memref<100x128xf32, #tpu.memory_space<vmem>>, vector<1x16xf32>,
        %get3A_553 = vector.shape_cast %get3A_552 : vector<1x16xf32> to vector<16xf32>
        %add3A_554 = arith.addf %add3A_480, %get3A_553 : vector<16xf32>
        %get3A_555 = arith.constant 0 : i32
        %get3A_556 = arith.constant 0 : i32
        %get3A_557 = tpu.memref_slice %arg6[%scan3A_229, %get3A_555, %get3A_556] : memref<4x100x128xf32, #tpu.memory_space<vmem>> -> memref<1x100x128xf32, #tpu.memory_space<vmem>>
        %get3A_558 = tpu.memref_squeeze %get3A_557 : memref<1x100x128xf32, #tpu.memory_space<vmem>> -> memref<100x128xf32, #tpu.memory_space<vmem>>
        %get3A_559 = arith.index_cast %scan3A_491 : i32 to index
        %get3A_560 = arith.constant 112 : index
        %get3A_561 = tpu.vector_load %get3A_558[%get3A_559, %get3A_560] {strides = array<i32>} : memref<100x128xf32, #tpu.memory_space<vmem>>, vector<1x16xf32>,
        %get3A_562 = vector.shape_cast %get3A_561 : vector<1x16xf32> to vector<16xf32>
        %add3A_563 = arith.addf %add3A_489, %get3A_562 : vector<16xf32>
        %scan3A_564 = arith.constant 3 : i32
        %scan3A_565 = arith.addi %scan3A_336, %scan3A_564 : i32
        %get3A_566 = arith.constant 0 : i32
        %get3A_567 = arith.constant 0 : i32
        %get3A_568 = tpu.memref_slice %arg6[%scan3A_229, %get3A_566, %get3A_567] : memref<4x100x128xf32, #tpu.memory_space<vmem>> -> memref<1x100x128xf32, #tpu.memory_space<vmem>>
        %get3A_569 = tpu.memref_squeeze %get3A_568 : memref<1x100x128xf32, #tpu.memory_space<vmem>> -> memref<100x128xf32, #tpu.memory_space<vmem>>
        %get3A_570 = arith.index_cast %scan3A_565 : i32 to index
        %get3A_571 = arith.constant 0 : index
        %get3A_572 = tpu.vector_load %get3A_569[%get3A_570, %get3A_571] {strides = array<i32>} : memref<100x128xf32, #tpu.memory_space<vmem>>, vector<1x16xf32>,
        %get3A_573 = vector.shape_cast %get3A_572 : vector<1x16xf32> to vector<16xf32>
        %add3A_574 = arith.addf %add3A_500, %get3A_573 : vector<16xf32>
        %get3A_575 = arith.constant 0 : i32
        %get3A_576 = arith.constant 0 : i32
        %get3A_577 = tpu.memref_slice %arg6[%scan3A_229, %get3A_575, %get3A_576] : memref<4x100x128xf32, #tpu.memory_space<vmem>> -> memref<1x100x128xf32, #tpu.memory_space<vmem>>
        %get3A_578 = tpu.memref_squeeze %get3A_577 : memref<1x100x128xf32, #tpu.memory_space<vmem>> -> memref<100x128xf32, #tpu.memory_space<vmem>>
        %get3A_579 = arith.index_cast %scan3A_565 : i32 to index
        %get3A_580 = arith.constant 16 : index
        %get3A_581 = tpu.vector_load %get3A_578[%get3A_579, %get3A_580] {strides = array<i32>} : memref<100x128xf32, #tpu.memory_space<vmem>>, vector<1x16xf32>,
        %get3A_582 = vector.shape_cast %get3A_581 : vector<1x16xf32> to vector<16xf32>
        %add3A_583 = arith.addf %add3A_509, %get3A_582 : vector<16xf32>
        %get3A_584 = arith.constant 0 : i32
        %get3A_585 = arith.constant 0 : i32
        %get3A_586 = tpu.memref_slice %arg6[%scan3A_229, %get3A_584, %get3A_585] : memref<4x100x128xf32, #tpu.memory_space<vmem>> -> memref<1x100x128xf32, #tpu.memory_space<vmem>>
        %get3A_587 = tpu.memref_squeeze %get3A_586 : memref<1x100x128xf32, #tpu.memory_space<vmem>> -> memref<100x128xf32, #tpu.memory_space<vmem>>
        %get3A_588 = arith.index_cast %scan3A_565 : i32 to index
        %get3A_589 = arith.constant 32 : index
        %get3A_590 = tpu.vector_load %get3A_587[%get3A_588, %get3A_589] {strides = array<i32>} : memref<100x128xf32, #tpu.memory_space<vmem>>, vector<1x16xf32>,
        %get3A_591 = vector.shape_cast %get3A_590 : vector<1x16xf32> to vector<16xf32>
        %add3A_592 = arith.addf %add3A_518, %get3A_591 : vector<16xf32>
        %get3A_593 = arith.constant 0 : i32
        %get3A_594 = arith.constant 0 : i32
        %get3A_595 = tpu.memref_slice %arg6[%scan3A_229, %get3A_593, %get3A_594] : memref<4x100x128xf32, #tpu.memory_space<vmem>> -> memref<1x100x128xf32, #tpu.memory_space<vmem>>
        %get3A_596 = tpu.memref_squeeze %get3A_595 : memref<1x100x128xf32, #tpu.memory_space<vmem>> -> memref<100x128xf32, #tpu.memory_space<vmem>>
        %get3A_597 = arith.index_cast %scan3A_565 : i32 to index
        %get3A_598 = arith.constant 48 : index
        %get3A_599 = tpu.vector_load %get3A_596[%get3A_597, %get3A_598] {strides = array<i32>} : memref<100x128xf32, #tpu.memory_space<vmem>>, vector<1x16xf32>,
        %get3A_600 = vector.shape_cast %get3A_599 : vector<1x16xf32> to vector<16xf32>
        %add3A_601 = arith.addf %add3A_527, %get3A_600 : vector<16xf32>
        %get3A_602 = arith.constant 0 : i32
        %get3A_603 = arith.constant 0 : i32
        %get3A_604 = tpu.memref_slice %arg6[%scan3A_229, %get3A_602, %get3A_603] : memref<4x100x128xf32, #tpu.memory_space<vmem>> -> memref<1x100x128xf32, #tpu.memory_space<vmem>>
        %get3A_605 = tpu.memref_squeeze %get3A_604 : memref<1x100x128xf32, #tpu.memory_space<vmem>> -> memref<100x128xf32, #tpu.memory_space<vmem>>
        %get3A_606 = arith.index_cast %scan3A_565 : i32 to index
        %get3A_607 = arith.constant 64 : index
        %get3A_608 = tpu.vector_load %get3A_605[%get3A_606, %get3A_607] {strides = array<i32>} : memref<100x128xf32, #tpu.memory_space<vmem>>, vector<1x16xf32>,
        %get3A_609 = vector.shape_cast %get3A_608 : vector<1x16xf32> to vector<16xf32>
        %add3A_610 = arith.addf %add3A_536, %get3A_609 : vector<16xf32>
        %get3A_611 = arith.constant 0 : i32
        %get3A_612 = arith.constant 0 : i32
        %get3A_613 = tpu.memref_slice %arg6[%scan3A_229, %get3A_611, %get3A_612] : memref<4x100x128xf32, #tpu.memory_space<vmem>> -> memref<1x100x128xf32, #tpu.memory_space<vmem>>
        %get3A_614 = tpu.memref_squeeze %get3A_613 : memref<1x100x128xf32, #tpu.memory_space<vmem>> -> memref<100x128xf32, #tpu.memory_space<vmem>>
        %get3A_615 = arith.index_cast %scan3A_565 : i32 to index
        %get3A_616 = arith.constant 80 : index
        %get3A_617 = tpu.vector_load %get3A_614[%get3A_615, %get3A_616] {strides = array<i32>} : memref<100x128xf32, #tpu.memory_space<vmem>>, vector<1x16xf32>,
        %get3A_618 = vector.shape_cast %get3A_617 : vector<1x16xf32> to vector<16xf32>
        %add3A_619 = arith.addf %add3A_545, %get3A_618 : vector<16xf32>
        %get3A_620 = arith.constant 0 : i32
        %get3A_621 = arith.constant 0 : i32
        %get3A_622 = tpu.memref_slice %arg6[%scan3A_229, %get3A_620, %get3A_621] : memref<4x100x128xf32, #tpu.memory_space<vmem>> -> memref<1x100x128xf32, #tpu.memory_space<vmem>>
        %get3A_623 = tpu.memref_squeeze %get3A_622 : memref<1x100x128xf32, #tpu.memory_space<vmem>> -> memref<100x128xf32, #tpu.memory_space<vmem>>
        %get3A_624 = arith.index_cast %scan3A_565 : i32 to index
        %get3A_625 = arith.constant 96 : index
        %get3A_626 = tpu.vector_load %get3A_623[%get3A_624, %get3A_625] {strides = array<i32>} : memref<100x128xf32, #tpu.memory_space<vmem>>, vector<1x16xf32>,
        %get3A_627 = vector.shape_cast %get3A_626 : vector<1x16xf32> to vector<16xf32>
        %add3A_628 = arith.addf %add3A_554, %get3A_627 : vector<16xf32>
        %get3A_629 = arith.constant 0 : i32
        %get3A_630 = arith.constant 0 : i32
        %get3A_631 = tpu.memref_slice %arg6[%scan3A_229, %get3A_629, %get3A_630] : memref<4x100x128xf32, #tpu.memory_space<vmem>> -> memref<1x100x128xf32, #tpu.memory_space<vmem>>
        %get3A_632 = tpu.memref_squeeze %get3A_631 : memref<1x100x128xf32, #tpu.memory_space<vmem>> -> memref<100x128xf32, #tpu.memory_space<vmem>>
        %get3A_633 = arith.index_cast %scan3A_565 : i32 to index
        %get3A_634 = arith.constant 112 : index
        %get3A_635 = tpu.vector_load %get3A_632[%get3A_633, %get3A_634] {strides = array<i32>} : memref<100x128xf32, #tpu.memory_space<vmem>>, vector<1x16xf32>,
        %get3A_636 = vector.shape_cast %get3A_635 : vector<1x16xf32> to vector<16xf32>
        %add3A_637 = arith.addf %add3A_563, %get3A_636 : vector<16xf32>
        scf.yield %add3A_574, %add3A_583, %add3A_592, %add3A_601, %add3A_610, %add3A_619, %add3A_628, %add3A_637 : vector<16xf32>, vector<16xf32>, vector<16xf32>, vector<16xf32>, vector<16xf32>, vector<16xf32>, vector<16xf32>, vector<16xf32>
      }
      %scan3A_235 = arith.constant 100 : i32
      %add3A_236 = arith.constant 4 : i32
      %add3A_237 = arith.addi %add3A_201, %add3A_236 : i32
      %lt3A_238 = arith.constant 256 : i32
      %lt3A_239 = arith.cmpi slt, %add3A_237, %lt3A_238 : i32
      %convert_element_type3A_240 = arith.extui %lt3A_239 : i1 to i32
      %cond3A_241 = arith.constant 0 : i32
      %cond3A_242 = arith.cmpi ne, %convert_element_type3A_240, %cond3A_241 : i32
      scf.if %cond3A_242 {
        %dma_start3A_336 = arith.constant 2 : i32
        %dma_start3A_337 = arith.constant 0 : i32
        %dma_start3A_338 = arith.constant 0 : i32
        %dma_start3A_339 = tpu.memref_slice %arg6[%dma_start3A_336, %dma_start3A_337, %dma_start3A_338] : memref<4x100x128xf32, #tpu.memory_space<vmem>> -> memref<1x48x128xf32, #tpu.memory_space<vmem>>
        %dma_start3A_340 = tpu.memref_squeeze %dma_start3A_339 : memref<1x48x128xf32, #tpu.memory_space<vmem>> -> memref<48x128xf32, #tpu.memory_space<vmem>>
        %dma_start3A_341 = arith.constant 0 : i32
        %dma_start3A_342 = tpu.memref_slice %arg5[%add3A_237, %dma_start3A_341] : memref<256x100xi32, #tpu.memory_space<vmem>> -> memref<1x48xi32, #tpu.memory_space<vmem>>
        %dma_start3A_343 = tpu.memref_squeeze %dma_start3A_342 : memref<1x48xi32, #tpu.memory_space<vmem>> -> memref<48xi32, #tpu.memory_space<vmem>>
        %dma_start3A_344 = arith.constant 0 : i32
        %dma_start3A_345 = arith.constant 0 : i32
        %dma_start3A_346 = tpu.memref_slice %arg3[%dma_start3A_344, %dma_start3A_345] : memref<100000x128xf32, #tpu.memory_space<hbm>> -> memref<100000x128xf32, #tpu.memory_space<hbm>>
        tpu.enqueue_indirect_dma source(%dma_start3A_346 : memref<100000x128xf32, #tpu.memory_space<hbm>>) target(%dma_start3A_340 : memref<48x128xf32, #tpu.memory_space<vmem>>) offsets(%dma_start3A_343 : memref<48xi32, #tpu.memory_space<vmem>>) semaphore(%arg10 : memref<!tpu.dma_semaphore, #tpu.memory_space<semaphore_mem>>)
      } else {
      }
      %mul3A_243 = arith.constant 4 : i32
      %mul3A_244 = arith.muli %mul3A_243, %scan3A_57 : i32
      %add3A_245 = arith.constant 3 : i32
      %add3A_246 = arith.addi %mul3A_244, %add3A_245 : i32
      %dma_wait3A_247 = arith.constant 3 : i32
      %dma_wait3A_248 = arith.constant 0 : i32
      %dma_wait3A_249 = arith.constant 0 : i32
      %dma_wait3A_250 = tpu.memref_slice %arg6[%dma_wait3A_247, %dma_wait3A_248, %dma_wait3A_249] : memref<4x100x128xf32, #tpu.memory_space<vmem>> -> memref<1x48x128xf32, #tpu.memory_space<vmem>>
      %dma_wait3A_251 = tpu.memref_squeeze %dma_wait3A_250 : memref<1x48x128xf32, #tpu.memory_space<vmem>> -> memref<48x128xf32, #tpu.memory_space<vmem>>
      %dma_wait3A_252 = arith.constant 0 : i32
      %dma_wait3A_253 = tpu.memref_slice %arg5[%add3A_246, %dma_wait3A_252] : memref<256x100xi32, #tpu.memory_space<vmem>> -> memref<1x48xi32, #tpu.memory_space<vmem>>
      %dma_wait3A_254 = tpu.memref_squeeze %dma_wait3A_253 : memref<1x48xi32, #tpu.memory_space<vmem>> -> memref<48xi32, #tpu.memory_space<vmem>>
      %dma_wait3A_255 = arith.constant 0 : i32
      %dma_wait3A_256 = arith.constant 0 : i32
      %dma_wait3A_257 = tpu.memref_slice %arg3[%dma_wait3A_255, %dma_wait3A_256] : memref<100000x128xf32, #tpu.memory_space<hbm>> -> memref<100000x128xf32, #tpu.memory_space<hbm>>
      tpu.wait_indirect_dma semaphore(%arg11 : memref<!tpu.dma_semaphore, #tpu.memory_space<semaphore_mem>>) src(%dma_wait3A_257 : memref<100000x128xf32, #tpu.memory_space<hbm>>) dst(%dma_wait3A_251 : memref<48x128xf32, #tpu.memory_space<vmem>>)
      %broadcast_in_dim3A_258 = arith.constant 0.000000e+00 : f32
      %broadcast_in_dim3A_259 = vector.broadcast %broadcast_in_dim3A_258 : f32 to vector<16xf32>
      %broadcast_in_dim3A_260 = arith.constant 0.000000e+00 : f32
      %broadcast_in_dim3A_261 = vector.broadcast %broadcast_in_dim3A_260 : f32 to vector<16xf32>
      %broadcast_in_dim3A_262 = arith.constant 0.000000e+00 : f32
      %broadcast_in_dim3A_263 = vector.broadcast %broadcast_in_dim3A_262 : f32 to vector<16xf32>
      %broadcast_in_dim3A_264 = arith.constant 0.000000e+00 : f32
      %broadcast_in_dim3A_265 = vector.broadcast %broadcast_in_dim3A_264 : f32 to vector<16xf32>
      %broadcast_in_dim3A_266 = arith.constant 0.000000e+00 : f32
      %broadcast_in_dim3A_267 = vector.broadcast %broadcast_in_dim3A_266 : f32 to vector<16xf32>
      %broadcast_in_dim3A_268 = arith.constant 0.000000e+00 : f32
      %broadcast_in_dim3A_269 = vector.broadcast %broadcast_in_dim3A_268 : f32 to vector<16xf32>
      %broadcast_in_dim3A_270 = arith.constant 0.000000e+00 : f32
      %broadcast_in_dim3A_271 = vector.broadcast %broadcast_in_dim3A_270 : f32 to vector<16xf32>
      %broadcast_in_dim3A_272 = arith.constant 0.000000e+00 : f32
      %broadcast_in_dim3A_273 = vector.broadcast %broadcast_in_dim3A_272 : f32 to vector<16xf32>
      %scan3A_274 = arith.constant 3 : i32
      %scan3A_275 = arith.constant 0 : i32
      %scan3A_276 = arith.constant 100 : i32
      %scan3A_277 = arith.addi %scan3A_275, %scan3A_276 : i32
      %scan3A_278 = arith.constant 4 : i32
      %scan3A_279:8 = scf.for %scan3A_336 = %scan3A_275 to %scan3A_277 step %scan3A_278 iter_args(%scan3A_337 = %broadcast_in_dim3A_259, %scan3A_338 = %broadcast_in_dim3A_261, %scan3A_339 = %broadcast_in_dim3A_263, %scan3A_340 = %broadcast_in_dim3A_265, %scan3A_341 = %broadcast_in_dim3A_267, %scan3A_342 = %broadcast_in_dim3A_269, %scan3A_343 = %broadcast_in_dim3A_271, %scan3A_344 = %broadcast_in_dim3A_273) -> (vector<16xf32>, vector<16xf32>, vector<16xf32>, vector<16xf32>, vector<16xf32>, vector<16xf32>, vector<16xf32>, vector<16xf32>)  : i32 {
        %get3A = arith.constant 0 : i32
        %get3A_345 = arith.constant 0 : i32
        %get3A_346 = tpu.memref_slice %arg6[%scan3A_274, %get3A, %get3A_345] : memref<4x100x128xf32, #tpu.memory_space<vmem>> -> memref<1x100x128xf32, #tpu.memory_space<vmem>>
        %get3A_347 = tpu.memref_squeeze %get3A_346 : memref<1x100x128xf32, #tpu.memory_space<vmem>> -> memref<100x128xf32, #tpu.memory_space<vmem>>
        %get3A_348 = arith.index_cast %scan3A_336 : i32 to index
        %get3A_349 = arith.constant 0 : index
        %get3A_350 = tpu.vector_load %get3A_347[%get3A_348, %get3A_349] {strides = array<i32>} : memref<100x128xf32, #tpu.memory_space<vmem>>, vector<1x16xf32>,
        %get3A_351 = vector.shape_cast %get3A_350 : vector<1x16xf32> to vector<16xf32>
        %add3A_352 = arith.addf %scan3A_337, %get3A_351 : vector<16xf32>
        %get3A_353 = arith.constant 0 : i32
        %get3A_354 = arith.constant 0 : i32
        %get3A_355 = tpu.memref_slice %arg6[%scan3A_274, %get3A_353, %get3A_354] : memref<4x100x128xf32, #tpu.memory_space<vmem>> -> memref<1x100x128xf32, #tpu.memory_space<vmem>>
        %get3A_356 = tpu.memref_squeeze %get3A_355 : memref<1x100x128xf32, #tpu.memory_space<vmem>> -> memref<100x128xf32, #tpu.memory_space<vmem>>
        %get3A_357 = arith.index_cast %scan3A_336 : i32 to index
        %get3A_358 = arith.constant 16 : index
        %get3A_359 = tpu.vector_load %get3A_356[%get3A_357, %get3A_358] {strides = array<i32>} : memref<100x128xf32, #tpu.memory_space<vmem>>, vector<1x16xf32>,
        %get3A_360 = vector.shape_cast %get3A_359 : vector<1x16xf32> to vector<16xf32>
        %add3A_361 = arith.addf %scan3A_338, %get3A_360 : vector<16xf32>
        %get3A_362 = arith.constant 0 : i32
        %get3A_363 = arith.constant 0 : i32
        %get3A_364 = tpu.memref_slice %arg6[%scan3A_274, %get3A_362, %get3A_363] : memref<4x100x128xf32, #tpu.memory_space<vmem>> -> memref<1x100x128xf32, #tpu.memory_space<vmem>>
        %get3A_365 = tpu.memref_squeeze %get3A_364 : memref<1x100x128xf32, #tpu.memory_space<vmem>> -> memref<100x128xf32, #tpu.memory_space<vmem>>
        %get3A_366 = arith.index_cast %scan3A_336 : i32 to index
        %get3A_367 = arith.constant 32 : index
        %get3A_368 = tpu.vector_load %get3A_365[%get3A_366, %get3A_367] {strides = array<i32>} : memref<100x128xf32, #tpu.memory_space<vmem>>, vector<1x16xf32>,
        %get3A_369 = vector.shape_cast %get3A_368 : vector<1x16xf32> to vector<16xf32>
        %add3A_370 = arith.addf %scan3A_339, %get3A_369 : vector<16xf32>
        %get3A_371 = arith.constant 0 : i32
        %get3A_372 = arith.constant 0 : i32
        %get3A_373 = tpu.memref_slice %arg6[%scan3A_274, %get3A_371, %get3A_372] : memref<4x100x128xf32, #tpu.memory_space<vmem>> -> memref<1x100x128xf32, #tpu.memory_space<vmem>>
        %get3A_374 = tpu.memref_squeeze %get3A_373 : memref<1x100x128xf32, #tpu.memory_space<vmem>> -> memref<100x128xf32, #tpu.memory_space<vmem>>
        %get3A_375 = arith.index_cast %scan3A_336 : i32 to index
        %get3A_376 = arith.constant 48 : index
        %get3A_377 = tpu.vector_load %get3A_374[%get3A_375, %get3A_376] {strides = array<i32>} : memref<100x128xf32, #tpu.memory_space<vmem>>, vector<1x16xf32>,
        %get3A_378 = vector.shape_cast %get3A_377 : vector<1x16xf32> to vector<16xf32>
        %add3A_379 = arith.addf %scan3A_340, %get3A_378 : vector<16xf32>
        %get3A_380 = arith.constant 0 : i32
        %get3A_381 = arith.constant 0 : i32
        %get3A_382 = tpu.memref_slice %arg6[%scan3A_274, %get3A_380, %get3A_381] : memref<4x100x128xf32, #tpu.memory_space<vmem>> -> memref<1x100x128xf32, #tpu.memory_space<vmem>>
        %get3A_383 = tpu.memref_squeeze %get3A_382 : memref<1x100x128xf32, #tpu.memory_space<vmem>> -> memref<100x128xf32, #tpu.memory_space<vmem>>
        %get3A_384 = arith.index_cast %scan3A_336 : i32 to index
        %get3A_385 = arith.constant 64 : index
        %get3A_386 = tpu.vector_load %get3A_383[%get3A_384, %get3A_385] {strides = array<i32>} : memref<100x128xf32, #tpu.memory_space<vmem>>, vector<1x16xf32>,
        %get3A_387 = vector.shape_cast %get3A_386 : vector<1x16xf32> to vector<16xf32>
        %add3A_388 = arith.addf %scan3A_341, %get3A_387 : vector<16xf32>
        %get3A_389 = arith.constant 0 : i32
        %get3A_390 = arith.constant 0 : i32
        %get3A_391 = tpu.memref_slice %arg6[%scan3A_274, %get3A_389, %get3A_390] : memref<4x100x128xf32, #tpu.memory_space<vmem>> -> memref<1x100x128xf32, #tpu.memory_space<vmem>>
        %get3A_392 = tpu.memref_squeeze %get3A_391 : memref<1x100x128xf32, #tpu.memory_space<vmem>> -> memref<100x128xf32, #tpu.memory_space<vmem>>
        %get3A_393 = arith.index_cast %scan3A_336 : i32 to index
        %get3A_394 = arith.constant 80 : index
        %get3A_395 = tpu.vector_load %get3A_392[%get3A_393, %get3A_394] {strides = array<i32>} : memref<100x128xf32, #tpu.memory_space<vmem>>, vector<1x16xf32>,
        %get3A_396 = vector.shape_cast %get3A_395 : vector<1x16xf32> to vector<16xf32>
        %add3A_397 = arith.addf %scan3A_342, %get3A_396 : vector<16xf32>
        %get3A_398 = arith.constant 0 : i32
        %get3A_399 = arith.constant 0 : i32
        %get3A_400 = tpu.memref_slice %arg6[%scan3A_274, %get3A_398, %get3A_399] : memref<4x100x128xf32, #tpu.memory_space<vmem>> -> memref<1x100x128xf32, #tpu.memory_space<vmem>>
        %get3A_401 = tpu.memref_squeeze %get3A_400 : memref<1x100x128xf32, #tpu.memory_space<vmem>> -> memref<100x128xf32, #tpu.memory_space<vmem>>
        %get3A_402 = arith.index_cast %scan3A_336 : i32 to index
        %get3A_403 = arith.constant 96 : index
        %get3A_404 = tpu.vector_load %get3A_401[%get3A_402, %get3A_403] {strides = array<i32>} : memref<100x128xf32, #tpu.memory_space<vmem>>, vector<1x16xf32>,
        %get3A_405 = vector.shape_cast %get3A_404 : vector<1x16xf32> to vector<16xf32>
        %add3A_406 = arith.addf %scan3A_343, %get3A_405 : vector<16xf32>
        %get3A_407 = arith.constant 0 : i32
        %get3A_408 = arith.constant 0 : i32
        %get3A_409 = tpu.memref_slice %arg6[%scan3A_274, %get3A_407, %get3A_408] : memref<4x100x128xf32, #tpu.memory_space<vmem>> -> memref<1x100x128xf32, #tpu.memory_space<vmem>>
        %get3A_410 = tpu.memref_squeeze %get3A_409 : memref<1x100x128xf32, #tpu.memory_space<vmem>> -> memref<100x128xf32, #tpu.memory_space<vmem>>
        %get3A_411 = arith.index_cast %scan3A_336 : i32 to index
        %get3A_412 = arith.constant 112 : index
        %get3A_413 = tpu.vector_load %get3A_410[%get3A_411, %get3A_412] {strides = array<i32>} : memref<100x128xf32, #tpu.memory_space<vmem>>, vector<1x16xf32>,
        %get3A_414 = vector.shape_cast %get3A_413 : vector<1x16xf32> to vector<16xf32>
        %add3A_415 = arith.addf %scan3A_344, %get3A_414 : vector<16xf32>
        %scan3A_416 = arith.constant 1 : i32
        %scan3A_417 = arith.addi %scan3A_336, %scan3A_416 : i32
        %get3A_418 = arith.constant 0 : i32
        %get3A_419 = arith.constant 0 : i32
        %get3A_420 = tpu.memref_slice %arg6[%scan3A_274, %get3A_418, %get3A_419] : memref<4x100x128xf32, #tpu.memory_space<vmem>> -> memref<1x100x128xf32, #tpu.memory_space<vmem>>
        %get3A_421 = tpu.memref_squeeze %get3A_420 : memref<1x100x128xf32, #tpu.memory_space<vmem>> -> memref<100x128xf32, #tpu.memory_space<vmem>>
        %get3A_422 = arith.index_cast %scan3A_417 : i32 to index
        %get3A_423 = arith.constant 0 : index
        %get3A_424 = tpu.vector_load %get3A_421[%get3A_422, %get3A_423] {strides = array<i32>} : memref<100x128xf32, #tpu.memory_space<vmem>>, vector<1x16xf32>,
        %get3A_425 = vector.shape_cast %get3A_424 : vector<1x16xf32> to vector<16xf32>
        %add3A_426 = arith.addf %add3A_352, %get3A_425 : vector<16xf32>
        %get3A_427 = arith.constant 0 : i32
        %get3A_428 = arith.constant 0 : i32
        %get3A_429 = tpu.memref_slice %arg6[%scan3A_274, %get3A_427, %get3A_428] : memref<4x100x128xf32, #tpu.memory_space<vmem>> -> memref<1x100x128xf32, #tpu.memory_space<vmem>>
        %get3A_430 = tpu.memref_squeeze %get3A_429 : memref<1x100x128xf32, #tpu.memory_space<vmem>> -> memref<100x128xf32, #tpu.memory_space<vmem>>
        %get3A_431 = arith.index_cast %scan3A_417 : i32 to index
        %get3A_432 = arith.constant 16 : index
        %get3A_433 = tpu.vector_load %get3A_430[%get3A_431, %get3A_432] {strides = array<i32>} : memref<100x128xf32, #tpu.memory_space<vmem>>, vector<1x16xf32>,
        %get3A_434 = vector.shape_cast %get3A_433 : vector<1x16xf32> to vector<16xf32>
        %add3A_435 = arith.addf %add3A_361, %get3A_434 : vector<16xf32>
        %get3A_436 = arith.constant 0 : i32
        %get3A_437 = arith.constant 0 : i32
        %get3A_438 = tpu.memref_slice %arg6[%scan3A_274, %get3A_436, %get3A_437] : memref<4x100x128xf32, #tpu.memory_space<vmem>> -> memref<1x100x128xf32, #tpu.memory_space<vmem>>
        %get3A_439 = tpu.memref_squeeze %get3A_438 : memref<1x100x128xf32, #tpu.memory_space<vmem>> -> memref<100x128xf32, #tpu.memory_space<vmem>>
        %get3A_440 = arith.index_cast %scan3A_417 : i32 to index
        %get3A_441 = arith.constant 32 : index
        %get3A_442 = tpu.vector_load %get3A_439[%get3A_440, %get3A_441] {strides = array<i32>} : memref<100x128xf32, #tpu.memory_space<vmem>>, vector<1x16xf32>,
        %get3A_443 = vector.shape_cast %get3A_442 : vector<1x16xf32> to vector<16xf32>
        %add3A_444 = arith.addf %add3A_370, %get3A_443 : vector<16xf32>
        %get3A_445 = arith.constant 0 : i32
        %get3A_446 = arith.constant 0 : i32
        %get3A_447 = tpu.memref_slice %arg6[%scan3A_274, %get3A_445, %get3A_446] : memref<4x100x128xf32, #tpu.memory_space<vmem>> -> memref<1x100x128xf32, #tpu.memory_space<vmem>>
        %get3A_448 = tpu.memref_squeeze %get3A_447 : memref<1x100x128xf32, #tpu.memory_space<vmem>> -> memref<100x128xf32, #tpu.memory_space<vmem>>
        %get3A_449 = arith.index_cast %scan3A_417 : i32 to index
        %get3A_450 = arith.constant 48 : index
        %get3A_451 = tpu.vector_load %get3A_448[%get3A_449, %get3A_450] {strides = array<i32>} : memref<100x128xf32, #tpu.memory_space<vmem>>, vector<1x16xf32>,
        %get3A_452 = vector.shape_cast %get3A_451 : vector<1x16xf32> to vector<16xf32>
        %add3A_453 = arith.addf %add3A_379, %get3A_452 : vector<16xf32>
        %get3A_454 = arith.constant 0 : i32
        %get3A_455 = arith.constant 0 : i32
        %get3A_456 = tpu.memref_slice %arg6[%scan3A_274, %get3A_454, %get3A_455] : memref<4x100x128xf32, #tpu.memory_space<vmem>> -> memref<1x100x128xf32, #tpu.memory_space<vmem>>
        %get3A_457 = tpu.memref_squeeze %get3A_456 : memref<1x100x128xf32, #tpu.memory_space<vmem>> -> memref<100x128xf32, #tpu.memory_space<vmem>>
        %get3A_458 = arith.index_cast %scan3A_417 : i32 to index
        %get3A_459 = arith.constant 64 : index
        %get3A_460 = tpu.vector_load %get3A_457[%get3A_458, %get3A_459] {strides = array<i32>} : memref<100x128xf32, #tpu.memory_space<vmem>>, vector<1x16xf32>,
        %get3A_461 = vector.shape_cast %get3A_460 : vector<1x16xf32> to vector<16xf32>
        %add3A_462 = arith.addf %add3A_388, %get3A_461 : vector<16xf32>
        %get3A_463 = arith.constant 0 : i32
        %get3A_464 = arith.constant 0 : i32
        %get3A_465 = tpu.memref_slice %arg6[%scan3A_274, %get3A_463, %get3A_464] : memref<4x100x128xf32, #tpu.memory_space<vmem>> -> memref<1x100x128xf32, #tpu.memory_space<vmem>>
        %get3A_466 = tpu.memref_squeeze %get3A_465 : memref<1x100x128xf32, #tpu.memory_space<vmem>> -> memref<100x128xf32, #tpu.memory_space<vmem>>
        %get3A_467 = arith.index_cast %scan3A_417 : i32 to index
        %get3A_468 = arith.constant 80 : index
        %get3A_469 = tpu.vector_load %get3A_466[%get3A_467, %get3A_468] {strides = array<i32>} : memref<100x128xf32, #tpu.memory_space<vmem>>, vector<1x16xf32>,
        %get3A_470 = vector.shape_cast %get3A_469 : vector<1x16xf32> to vector<16xf32>
        %add3A_471 = arith.addf %add3A_397, %get3A_470 : vector<16xf32>
        %get3A_472 = arith.constant 0 : i32
        %get3A_473 = arith.constant 0 : i32
        %get3A_474 = tpu.memref_slice %arg6[%scan3A_274, %get3A_472, %get3A_473] : memref<4x100x128xf32, #tpu.memory_space<vmem>> -> memref<1x100x128xf32, #tpu.memory_space<vmem>>
        %get3A_475 = tpu.memref_squeeze %get3A_474 : memref<1x100x128xf32, #tpu.memory_space<vmem>> -> memref<100x128xf32, #tpu.memory_space<vmem>>
        %get3A_476 = arith.index_cast %scan3A_417 : i32 to index
        %get3A_477 = arith.constant 96 : index
        %get3A_478 = tpu.vector_load %get3A_475[%get3A_476, %get3A_477] {strides = array<i32>} : memref<100x128xf32, #tpu.memory_space<vmem>>, vector<1x16xf32>,
        %get3A_479 = vector.shape_cast %get3A_478 : vector<1x16xf32> to vector<16xf32>
        %add3A_480 = arith.addf %add3A_406, %get3A_479 : vector<16xf32>
        %get3A_481 = arith.constant 0 : i32
        %get3A_482 = arith.constant 0 : i32
        %get3A_483 = tpu.memref_slice %arg6[%scan3A_274, %get3A_481, %get3A_482] : memref<4x100x128xf32, #tpu.memory_space<vmem>> -> memref<1x100x128xf32, #tpu.memory_space<vmem>>
        %get3A_484 = tpu.memref_squeeze %get3A_483 : memref<1x100x128xf32, #tpu.memory_space<vmem>> -> memref<100x128xf32, #tpu.memory_space<vmem>>
        %get3A_485 = arith.index_cast %scan3A_417 : i32 to index
        %get3A_486 = arith.constant 112 : index
        %get3A_487 = tpu.vector_load %get3A_484[%get3A_485, %get3A_486] {strides = array<i32>} : memref<100x128xf32, #tpu.memory_space<vmem>>, vector<1x16xf32>,
        %get3A_488 = vector.shape_cast %get3A_487 : vector<1x16xf32> to vector<16xf32>
        %add3A_489 = arith.addf %add3A_415, %get3A_488 : vector<16xf32>
        %scan3A_490 = arith.constant 2 : i32
        %scan3A_491 = arith.addi %scan3A_336, %scan3A_490 : i32
        %get3A_492 = arith.constant 0 : i32
        %get3A_493 = arith.constant 0 : i32
        %get3A_494 = tpu.memref_slice %arg6[%scan3A_274, %get3A_492, %get3A_493] : memref<4x100x128xf32, #tpu.memory_space<vmem>> -> memref<1x100x128xf32, #tpu.memory_space<vmem>>
        %get3A_495 = tpu.memref_squeeze %get3A_494 : memref<1x100x128xf32, #tpu.memory_space<vmem>> -> memref<100x128xf32, #tpu.memory_space<vmem>>
        %get3A_496 = arith.index_cast %scan3A_491 : i32 to index
        %get3A_497 = arith.constant 0 : index
        %get3A_498 = tpu.vector_load %get3A_495[%get3A_496, %get3A_497] {strides = array<i32>} : memref<100x128xf32, #tpu.memory_space<vmem>>, vector<1x16xf32>,
        %get3A_499 = vector.shape_cast %get3A_498 : vector<1x16xf32> to vector<16xf32>
        %add3A_500 = arith.addf %add3A_426, %get3A_499 : vector<16xf32>
        %get3A_501 = arith.constant 0 : i32
        %get3A_502 = arith.constant 0 : i32
        %get3A_503 = tpu.memref_slice %arg6[%scan3A_274, %get3A_501, %get3A_502] : memref<4x100x128xf32, #tpu.memory_space<vmem>> -> memref<1x100x128xf32, #tpu.memory_space<vmem>>
        %get3A_504 = tpu.memref_squeeze %get3A_503 : memref<1x100x128xf32, #tpu.memory_space<vmem>> -> memref<100x128xf32, #tpu.memory_space<vmem>>
        %get3A_505 = arith.index_cast %scan3A_491 : i32 to index
        %get3A_506 = arith.constant 16 : index
        %get3A_507 = tpu.vector_load %get3A_504[%get3A_505, %get3A_506] {strides = array<i32>} : memref<100x128xf32, #tpu.memory_space<vmem>>, vector<1x16xf32>,
        %get3A_508 = vector.shape_cast %get3A_507 : vector<1x16xf32> to vector<16xf32>
        %add3A_509 = arith.addf %add3A_435, %get3A_508 : vector<16xf32>
        %get3A_510 = arith.constant 0 : i32
        %get3A_511 = arith.constant 0 : i32
        %get3A_512 = tpu.memref_slice %arg6[%scan3A_274, %get3A_510, %get3A_511] : memref<4x100x128xf32, #tpu.memory_space<vmem>> -> memref<1x100x128xf32, #tpu.memory_space<vmem>>
        %get3A_513 = tpu.memref_squeeze %get3A_512 : memref<1x100x128xf32, #tpu.memory_space<vmem>> -> memref<100x128xf32, #tpu.memory_space<vmem>>
        %get3A_514 = arith.index_cast %scan3A_491 : i32 to index
        %get3A_515 = arith.constant 32 : index
        %get3A_516 = tpu.vector_load %get3A_513[%get3A_514, %get3A_515] {strides = array<i32>} : memref<100x128xf32, #tpu.memory_space<vmem>>, vector<1x16xf32>,
        %get3A_517 = vector.shape_cast %get3A_516 : vector<1x16xf32> to vector<16xf32>
        %add3A_518 = arith.addf %add3A_444, %get3A_517 : vector<16xf32>
        %get3A_519 = arith.constant 0 : i32
        %get3A_520 = arith.constant 0 : i32
        %get3A_521 = tpu.memref_slice %arg6[%scan3A_274, %get3A_519, %get3A_520] : memref<4x100x128xf32, #tpu.memory_space<vmem>> -> memref<1x100x128xf32, #tpu.memory_space<vmem>>
        %get3A_522 = tpu.memref_squeeze %get3A_521 : memref<1x100x128xf32, #tpu.memory_space<vmem>> -> memref<100x128xf32, #tpu.memory_space<vmem>>
        %get3A_523 = arith.index_cast %scan3A_491 : i32 to index
        %get3A_524 = arith.constant 48 : index
        %get3A_525 = tpu.vector_load %get3A_522[%get3A_523, %get3A_524] {strides = array<i32>} : memref<100x128xf32, #tpu.memory_space<vmem>>, vector<1x16xf32>,
        %get3A_526 = vector.shape_cast %get3A_525 : vector<1x16xf32> to vector<16xf32>
        %add3A_527 = arith.addf %add3A_453, %get3A_526 : vector<16xf32>
        %get3A_528 = arith.constant 0 : i32
        %get3A_529 = arith.constant 0 : i32
        %get3A_530 = tpu.memref_slice %arg6[%scan3A_274, %get3A_528, %get3A_529] : memref<4x100x128xf32, #tpu.memory_space<vmem>> -> memref<1x100x128xf32, #tpu.memory_space<vmem>>
        %get3A_531 = tpu.memref_squeeze %get3A_530 : memref<1x100x128xf32, #tpu.memory_space<vmem>> -> memref<100x128xf32, #tpu.memory_space<vmem>>
        %get3A_532 = arith.index_cast %scan3A_491 : i32 to index
        %get3A_533 = arith.constant 64 : index
        %get3A_534 = tpu.vector_load %get3A_531[%get3A_532, %get3A_533] {strides = array<i32>} : memref<100x128xf32, #tpu.memory_space<vmem>>, vector<1x16xf32>,
        %get3A_535 = vector.shape_cast %get3A_534 : vector<1x16xf32> to vector<16xf32>
        %add3A_536 = arith.addf %add3A_462, %get3A_535 : vector<16xf32>
        %get3A_537 = arith.constant 0 : i32
        %get3A_538 = arith.constant 0 : i32
        %get3A_539 = tpu.memref_slice %arg6[%scan3A_274, %get3A_537, %get3A_538] : memref<4x100x128xf32, #tpu.memory_space<vmem>> -> memref<1x100x128xf32, #tpu.memory_space<vmem>>
        %get3A_540 = tpu.memref_squeeze %get3A_539 : memref<1x100x128xf32, #tpu.memory_space<vmem>> -> memref<100x128xf32, #tpu.memory_space<vmem>>
        %get3A_541 = arith.index_cast %scan3A_491 : i32 to index
        %get3A_542 = arith.constant 80 : index
        %get3A_543 = tpu.vector_load %get3A_540[%get3A_541, %get3A_542] {strides = array<i32>} : memref<100x128xf32, #tpu.memory_space<vmem>>, vector<1x16xf32>,
        %get3A_544 = vector.shape_cast %get3A_543 : vector<1x16xf32> to vector<16xf32>
        %add3A_545 = arith.addf %add3A_471, %get3A_544 : vector<16xf32>
        %get3A_546 = arith.constant 0 : i32
        %get3A_547 = arith.constant 0 : i32
        %get3A_548 = tpu.memref_slice %arg6[%scan3A_274, %get3A_546, %get3A_547] : memref<4x100x128xf32, #tpu.memory_space<vmem>> -> memref<1x100x128xf32, #tpu.memory_space<vmem>>
        %get3A_549 = tpu.memref_squeeze %get3A_548 : memref<1x100x128xf32, #tpu.memory_space<vmem>> -> memref<100x128xf32, #tpu.memory_space<vmem>>
        %get3A_550 = arith.index_cast %scan3A_491 : i32 to index
        %get3A_551 = arith.constant 96 : index
        %get3A_552 = tpu.vector_load %get3A_549[%get3A_550, %get3A_551] {strides = array<i32>} : memref<100x128xf32, #tpu.memory_space<vmem>>, vector<1x16xf32>,
        %get3A_553 = vector.shape_cast %get3A_552 : vector<1x16xf32> to vector<16xf32>
        %add3A_554 = arith.addf %add3A_480, %get3A_553 : vector<16xf32>
        %get3A_555 = arith.constant 0 : i32
        %get3A_556 = arith.constant 0 : i32
        %get3A_557 = tpu.memref_slice %arg6[%scan3A_274, %get3A_555, %get3A_556] : memref<4x100x128xf32, #tpu.memory_space<vmem>> -> memref<1x100x128xf32, #tpu.memory_space<vmem>>
        %get3A_558 = tpu.memref_squeeze %get3A_557 : memref<1x100x128xf32, #tpu.memory_space<vmem>> -> memref<100x128xf32, #tpu.memory_space<vmem>>
        %get3A_559 = arith.index_cast %scan3A_491 : i32 to index
        %get3A_560 = arith.constant 112 : index
        %get3A_561 = tpu.vector_load %get3A_558[%get3A_559, %get3A_560] {strides = array<i32>} : memref<100x128xf32, #tpu.memory_space<vmem>>, vector<1x16xf32>,
        %get3A_562 = vector.shape_cast %get3A_561 : vector<1x16xf32> to vector<16xf32>
        %add3A_563 = arith.addf %add3A_489, %get3A_562 : vector<16xf32>
        %scan3A_564 = arith.constant 3 : i32
        %scan3A_565 = arith.addi %scan3A_336, %scan3A_564 : i32
        %get3A_566 = arith.constant 0 : i32
        %get3A_567 = arith.constant 0 : i32
        %get3A_568 = tpu.memref_slice %arg6[%scan3A_274, %get3A_566, %get3A_567] : memref<4x100x128xf32, #tpu.memory_space<vmem>> -> memref<1x100x128xf32, #tpu.memory_space<vmem>>
        %get3A_569 = tpu.memref_squeeze %get3A_568 : memref<1x100x128xf32, #tpu.memory_space<vmem>> -> memref<100x128xf32, #tpu.memory_space<vmem>>
        %get3A_570 = arith.index_cast %scan3A_565 : i32 to index
        %get3A_571 = arith.constant 0 : index
        %get3A_572 = tpu.vector_load %get3A_569[%get3A_570, %get3A_571] {strides = array<i32>} : memref<100x128xf32, #tpu.memory_space<vmem>>, vector<1x16xf32>,
        %get3A_573 = vector.shape_cast %get3A_572 : vector<1x16xf32> to vector<16xf32>
        %add3A_574 = arith.addf %add3A_500, %get3A_573 : vector<16xf32>
        %get3A_575 = arith.constant 0 : i32
        %get3A_576 = arith.constant 0 : i32
        %get3A_577 = tpu.memref_slice %arg6[%scan3A_274, %get3A_575, %get3A_576] : memref<4x100x128xf32, #tpu.memory_space<vmem>> -> memref<1x100x128xf32, #tpu.memory_space<vmem>>
        %get3A_578 = tpu.memref_squeeze %get3A_577 : memref<1x100x128xf32, #tpu.memory_space<vmem>> -> memref<100x128xf32, #tpu.memory_space<vmem>>
        %get3A_579 = arith.index_cast %scan3A_565 : i32 to index
        %get3A_580 = arith.constant 16 : index
        %get3A_581 = tpu.vector_load %get3A_578[%get3A_579, %get3A_580] {strides = array<i32>} : memref<100x128xf32, #tpu.memory_space<vmem>>, vector<1x16xf32>,
        %get3A_582 = vector.shape_cast %get3A_581 : vector<1x16xf32> to vector<16xf32>
        %add3A_583 = arith.addf %add3A_509, %get3A_582 : vector<16xf32>
        %get3A_584 = arith.constant 0 : i32
        %get3A_585 = arith.constant 0 : i32
        %get3A_586 = tpu.memref_slice %arg6[%scan3A_274, %get3A_584, %get3A_585] : memref<4x100x128xf32, #tpu.memory_space<vmem>> -> memref<1x100x128xf32, #tpu.memory_space<vmem>>
        %get3A_587 = tpu.memref_squeeze %get3A_586 : memref<1x100x128xf32, #tpu.memory_space<vmem>> -> memref<100x128xf32, #tpu.memory_space<vmem>>
        %get3A_588 = arith.index_cast %scan3A_565 : i32 to index
        %get3A_589 = arith.constant 32 : index
        %get3A_590 = tpu.vector_load %get3A_587[%get3A_588, %get3A_589] {strides = array<i32>} : memref<100x128xf32, #tpu.memory_space<vmem>>, vector<1x16xf32>,
        %get3A_591 = vector.shape_cast %get3A_590 : vector<1x16xf32> to vector<16xf32>
        %add3A_592 = arith.addf %add3A_518, %get3A_591 : vector<16xf32>
        %get3A_593 = arith.constant 0 : i32
        %get3A_594 = arith.constant 0 : i32
        %get3A_595 = tpu.memref_slice %arg6[%scan3A_274, %get3A_593, %get3A_594] : memref<4x100x128xf32, #tpu.memory_space<vmem>> -> memref<1x100x128xf32, #tpu.memory_space<vmem>>
        %get3A_596 = tpu.memref_squeeze %get3A_595 : memref<1x100x128xf32, #tpu.memory_space<vmem>> -> memref<100x128xf32, #tpu.memory_space<vmem>>
        %get3A_597 = arith.index_cast %scan3A_565 : i32 to index
        %get3A_598 = arith.constant 48 : index
        %get3A_599 = tpu.vector_load %get3A_596[%get3A_597, %get3A_598] {strides = array<i32>} : memref<100x128xf32, #tpu.memory_space<vmem>>, vector<1x16xf32>,
        %get3A_600 = vector.shape_cast %get3A_599 : vector<1x16xf32> to vector<16xf32>
        %add3A_601 = arith.addf %add3A_527, %get3A_600 : vector<16xf32>
        %get3A_602 = arith.constant 0 : i32
        %get3A_603 = arith.constant 0 : i32
        %get3A_604 = tpu.memref_slice %arg6[%scan3A_274, %get3A_602, %get3A_603] : memref<4x100x128xf32, #tpu.memory_space<vmem>> -> memref<1x100x128xf32, #tpu.memory_space<vmem>>
        %get3A_605 = tpu.memref_squeeze %get3A_604 : memref<1x100x128xf32, #tpu.memory_space<vmem>> -> memref<100x128xf32, #tpu.memory_space<vmem>>
        %get3A_606 = arith.index_cast %scan3A_565 : i32 to index
        %get3A_607 = arith.constant 64 : index
        %get3A_608 = tpu.vector_load %get3A_605[%get3A_606, %get3A_607] {strides = array<i32>} : memref<100x128xf32, #tpu.memory_space<vmem>>, vector<1x16xf32>,
        %get3A_609 = vector.shape_cast %get3A_608 : vector<1x16xf32> to vector<16xf32>
        %add3A_610 = arith.addf %add3A_536, %get3A_609 : vector<16xf32>
        %get3A_611 = arith.constant 0 : i32
        %get3A_612 = arith.constant 0 : i32
        %get3A_613 = tpu.memref_slice %arg6[%scan3A_274, %get3A_611, %get3A_612] : memref<4x100x128xf32, #tpu.memory_space<vmem>> -> memref<1x100x128xf32, #tpu.memory_space<vmem>>
        %get3A_614 = tpu.memref_squeeze %get3A_613 : memref<1x100x128xf32, #tpu.memory_space<vmem>> -> memref<100x128xf32, #tpu.memory_space<vmem>>
        %get3A_615 = arith.index_cast %scan3A_565 : i32 to index
        %get3A_616 = arith.constant 80 : index
        %get3A_617 = tpu.vector_load %get3A_614[%get3A_615, %get3A_616] {strides = array<i32>} : memref<100x128xf32, #tpu.memory_space<vmem>>, vector<1x16xf32>,
        %get3A_618 = vector.shape_cast %get3A_617 : vector<1x16xf32> to vector<16xf32>
        %add3A_619 = arith.addf %add3A_545, %get3A_618 : vector<16xf32>
        %get3A_620 = arith.constant 0 : i32
        %get3A_621 = arith.constant 0 : i32
        %get3A_622 = tpu.memref_slice %arg6[%scan3A_274, %get3A_620, %get3A_621] : memref<4x100x128xf32, #tpu.memory_space<vmem>> -> memref<1x100x128xf32, #tpu.memory_space<vmem>>
        %get3A_623 = tpu.memref_squeeze %get3A_622 : memref<1x100x128xf32, #tpu.memory_space<vmem>> -> memref<100x128xf32, #tpu.memory_space<vmem>>
        %get3A_624 = arith.index_cast %scan3A_565 : i32 to index
        %get3A_625 = arith.constant 96 : index
        %get3A_626 = tpu.vector_load %get3A_623[%get3A_624, %get3A_625] {strides = array<i32>} : memref<100x128xf32, #tpu.memory_space<vmem>>, vector<1x16xf32>,
        %get3A_627 = vector.shape_cast %get3A_626 : vector<1x16xf32> to vector<16xf32>
        %add3A_628 = arith.addf %add3A_554, %get3A_627 : vector<16xf32>
        %get3A_629 = arith.constant 0 : i32
        %get3A_630 = arith.constant 0 : i32
        %get3A_631 = tpu.memref_slice %arg6[%scan3A_274, %get3A_629, %get3A_630] : memref<4x100x128xf32, #tpu.memory_space<vmem>> -> memref<1x100x128xf32, #tpu.memory_space<vmem>>
        %get3A_632 = tpu.memref_squeeze %get3A_631 : memref<1x100x128xf32, #tpu.memory_space<vmem>> -> memref<100x128xf32, #tpu.memory_space<vmem>>
        %get3A_633 = arith.index_cast %scan3A_565 : i32 to index
        %get3A_634 = arith.constant 112 : index
        %get3A_635 = tpu.vector_load %get3A_632[%get3A_633, %get3A_634] {strides = array<i32>} : memref<100x128xf32, #tpu.memory_space<vmem>>, vector<1x16xf32>,
        %get3A_636 = vector.shape_cast %get3A_635 : vector<1x16xf32> to vector<16xf32>
        %add3A_637 = arith.addf %add3A_563, %get3A_636 : vector<16xf32>
        scf.yield %add3A_574, %add3A_583, %add3A_592, %add3A_601, %add3A_610, %add3A_619, %add3A_628, %add3A_637 : vector<16xf32>, vector<16xf32>, vector<16xf32>, vector<16xf32>, vector<16xf32>, vector<16xf32>, vector<16xf32>, vector<16xf32>
      }
      %scan3A_280 = arith.constant 100 : i32
      %add3A_281 = arith.addf %scan3A_234#0, %scan3A_279#0 : vector<16xf32>
      %add3A_282 = arith.addf %scan3A_234#1, %scan3A_279#1 : vector<16xf32>
      %add3A_283 = arith.addf %scan3A_234#2, %scan3A_279#2 : vector<16xf32>
      %add3A_284 = arith.addf %scan3A_234#3, %scan3A_279#3 : vector<16xf32>
      %add3A_285 = arith.addf %scan3A_234#4, %scan3A_279#4 : vector<16xf32>
      %add3A_286 = arith.addf %scan3A_234#5, %scan3A_279#5 : vector<16xf32>
      %add3A_287 = arith.addf %scan3A_234#6, %scan3A_279#6 : vector<16xf32>
      %add3A_288 = arith.addf %scan3A_234#7, %scan3A_279#7 : vector<16xf32>
      %add3A_289 = arith.constant 4 : i32
      %add3A_290 = arith.addi %add3A_246, %add3A_289 : i32
      %lt3A_291 = arith.constant 256 : i32
      %lt3A_292 = arith.cmpi slt, %add3A_290, %lt3A_291 : i32
      %convert_element_type3A_293 = arith.extui %lt3A_292 : i1 to i32
      %cond3A_294 = arith.constant 0 : i32
      %cond3A_295 = arith.cmpi ne, %convert_element_type3A_293, %cond3A_294 : i32
      scf.if %cond3A_295 {
        %dma_start3A_336 = arith.constant 3 : i32
        %dma_start3A_337 = arith.constant 0 : i32
        %dma_start3A_338 = arith.constant 0 : i32
        %dma_start3A_339 = tpu.memref_slice %arg6[%dma_start3A_336, %dma_start3A_337, %dma_start3A_338] : memref<4x100x128xf32, #tpu.memory_space<vmem>> -> memref<1x48x128xf32, #tpu.memory_space<vmem>>
        %dma_start3A_340 = tpu.memref_squeeze %dma_start3A_339 : memref<1x48x128xf32, #tpu.memory_space<vmem>> -> memref<48x128xf32, #tpu.memory_space<vmem>>
        %dma_start3A_341 = arith.constant 0 : i32
        %dma_start3A_342 = tpu.memref_slice %arg5[%add3A_290, %dma_start3A_341] : memref<256x100xi32, #tpu.memory_space<vmem>> -> memref<1x48xi32, #tpu.memory_space<vmem>>
        %dma_start3A_343 = tpu.memref_squeeze %dma_start3A_342 : memref<1x48xi32, #tpu.memory_space<vmem>> -> memref<48xi32, #tpu.memory_space<vmem>>
        %dma_start3A_344 = arith.constant 0 : i32
        %dma_start3A_345 = arith.constant 0 : i32
        %dma_start3A_346 = tpu.memref_slice %arg3[%dma_start3A_344, %dma_start3A_345] : memref<100000x128xf32, #tpu.memory_space<hbm>> -> memref<100000x128xf32, #tpu.memory_space<hbm>>
        tpu.enqueue_indirect_dma source(%dma_start3A_346 : memref<100000x128xf32, #tpu.memory_space<hbm>>) target(%dma_start3A_340 : memref<48x128xf32, #tpu.memory_space<vmem>>) offsets(%dma_start3A_343 : memref<48xi32, #tpu.memory_space<vmem>>) semaphore(%arg11 : memref<!tpu.dma_semaphore, #tpu.memory_space<semaphore_mem>>)
      } else {
      }
      %swap3A_296 = arith.index_cast %add3A_197 : i32 to index
      %swap3A_297 = arith.constant 0 : index
      %swap3A_298 = tpu.vector_load %arg7[%swap3A_296, %swap3A_297] {strides = array<i32>} : memref<128x128xf32, #tpu.memory_space<vmem>>, vector<1x16xf32>,
      %swap3A_299 = vector.shape_cast %swap3A_298 : vector<1x16xf32> to vector<16xf32>
      %swap3A_300 = vector.shape_cast %add3A_281 : vector<16xf32> to vector<1x16xf32>
      tpu.vector_store %arg7[%swap3A_296, %swap3A_297], %swap3A_300 {strides = array<i32>} : memref<128x128xf32, #tpu.memory_space<vmem>>, vector<1x16xf32>,
      %swap3A_301 = arith.index_cast %add3A_197 : i32 to index
      %swap3A_302 = arith.constant 16 : index
      %swap3A_303 = tpu.vector_load %arg7[%swap3A_301, %swap3A_302] {strides = array<i32>} : memref<128x128xf32, #tpu.memory_space<vmem>>, vector<1x16xf32>,
      %swap3A_304 = vector.shape_cast %swap3A_303 : vector<1x16xf32> to vector<16xf32>
      %swap3A_305 = vector.shape_cast %add3A_282 : vector<16xf32> to vector<1x16xf32>
      tpu.vector_store %arg7[%swap3A_301, %swap3A_302], %swap3A_305 {strides = array<i32>} : memref<128x128xf32, #tpu.memory_space<vmem>>, vector<1x16xf32>,
      %swap3A_306 = arith.index_cast %add3A_197 : i32 to index
      %swap3A_307 = arith.constant 32 : index
      %swap3A_308 = tpu.vector_load %arg7[%swap3A_306, %swap3A_307] {strides = array<i32>} : memref<128x128xf32, #tpu.memory_space<vmem>>, vector<1x16xf32>,
      %swap3A_309 = vector.shape_cast %swap3A_308 : vector<1x16xf32> to vector<16xf32>
      %swap3A_310 = vector.shape_cast %add3A_283 : vector<16xf32> to vector<1x16xf32>
      tpu.vector_store %arg7[%swap3A_306, %swap3A_307], %swap3A_310 {strides = array<i32>} : memref<128x128xf32, #tpu.memory_space<vmem>>, vector<1x16xf32>,
      %swap3A_311 = arith.index_cast %add3A_197 : i32 to index
      %swap3A_312 = arith.constant 48 : index
      %swap3A_313 = tpu.vector_load %arg7[%swap3A_311, %swap3A_312] {strides = array<i32>} : memref<128x128xf32, #tpu.memory_space<vmem>>, vector<1x16xf32>,
      %swap3A_314 = vector.shape_cast %swap3A_313 : vector<1x16xf32> to vector<16xf32>
      %swap3A_315 = vector.shape_cast %add3A_284 : vector<16xf32> to vector<1x16xf32>
      tpu.vector_store %arg7[%swap3A_311, %swap3A_312], %swap3A_315 {strides = array<i32>} : memref<128x128xf32, #tpu.memory_space<vmem>>, vector<1x16xf32>,
      %swap3A_316 = arith.index_cast %add3A_197 : i32 to index
      %swap3A_317 = arith.constant 64 : index
      %swap3A_318 = tpu.vector_load %arg7[%swap3A_316, %swap3A_317] {strides = array<i32>} : memref<128x128xf32, #tpu.memory_space<vmem>>, vector<1x16xf32>,
      %swap3A_319 = vector.shape_cast %swap3A_318 : vector<1x16xf32> to vector<16xf32>
      %swap3A_320 = vector.shape_cast %add3A_285 : vector<16xf32> to vector<1x16xf32>
      tpu.vector_store %arg7[%swap3A_316, %swap3A_317], %swap3A_320 {strides = array<i32>} : memref<128x128xf32, #tpu.memory_space<vmem>>, vector<1x16xf32>,
      %swap3A_321 = arith.index_cast %add3A_197 : i32 to index
      %swap3A_322 = arith.constant 80 : index
      %swap3A_323 = tpu.vector_load %arg7[%swap3A_321, %swap3A_322] {strides = array<i32>} : memref<128x128xf32, #tpu.memory_space<vmem>>, vector<1x16xf32>,
      %swap3A_324 = vector.shape_cast %swap3A_323 : vector<1x16xf32> to vector<16xf32>
      %swap3A_325 = vector.shape_cast %add3A_286 : vector<16xf32> to vector<1x16xf32>
      tpu.vector_store %arg7[%swap3A_321, %swap3A_322], %swap3A_325 {strides = array<i32>} : memref<128x128xf32, #tpu.memory_space<vmem>>, vector<1x16xf32>,
      %swap3A_326 = arith.index_cast %add3A_197 : i32 to index
      %swap3A_327 = arith.constant 96 : index
      %swap3A_328 = tpu.vector_load %arg7[%swap3A_326, %swap3A_327] {strides = array<i32>} : memref<128x128xf32, #tpu.memory_space<vmem>>, vector<1x16xf32>,
      %swap3A_329 = vector.shape_cast %swap3A_328 : vector<1x16xf32> to vector<16xf32>
      %swap3A_330 = vector.shape_cast %add3A_287 : vector<16xf32> to vector<1x16xf32>
      tpu.vector_store %arg7[%swap3A_326, %swap3A_327], %swap3A_330 {strides = array<i32>} : memref<128x128xf32, #tpu.memory_space<vmem>>, vector<1x16xf32>,
      %swap3A_331 = arith.index_cast %add3A_197 : i32 to index
      %swap3A_332 = arith.constant 112 : index
      %swap3A_333 = tpu.vector_load %arg7[%swap3A_331, %swap3A_332] {strides = array<i32>} : memref<128x128xf32, #tpu.memory_space<vmem>>, vector<1x16xf32>,
      %swap3A_334 = vector.shape_cast %swap3A_333 : vector<1x16xf32> to vector<16xf32>
      %swap3A_335 = vector.shape_cast %add3A_288 : vector<16xf32> to vector<1x16xf32>
      tpu.vector_store %arg7[%swap3A_331, %swap3A_332], %swap3A_335 {strides = array<i32>} : memref<128x128xf32, #tpu.memory_space<vmem>>, vector<1x16xf32>,
    }
    %scan3A_54 = arith.constant 64 : i32
    %mul3A_55 = arith.constant 128 : i32
    %mul3A_56 = arith.muli %add3A, %mul3A_55 : i32
    "tpu.region"() ({
      %run_scoped3A = tpu.sem_alloc : memref<!tpu.dma_semaphore, #tpu.memory_space<semaphore_mem>>
      %dma_start3A_57 = arith.constant 0 : i32
      %dma_start3A_58 = tpu.memref_slice %arg4[%mul3A_56, %dma_start3A_57] : memref<4096x128xf32, #tpu.memory_space<hbm>> -> memref<128x128xf32, #tpu.memory_space<hbm>>
      %dma_start3A_59 = arith.constant 0 : i32
      %dma_start3A_60 = tpu.memref_slice %arg4[%mul3A_56, %dma_start3A_59] : memref<4096x128xf32, #tpu.memory_space<hbm>> -> memref<128x128xf32, #tpu.memory_space<hbm>>
      tpu.enqueue_dma source(%arg7 : memref<128x128xf32, #tpu.memory_space<vmem>>) target(%dma_start3A_60 : memref<128x128xf32, #tpu.memory_space<hbm>>) target_semaphore(%run_scoped3A : memref<!tpu.dma_semaphore, #tpu.memory_space<semaphore_mem>>)
      %dma_wait3A = arith.constant 0 : i32
      %dma_wait3A_61 = tpu.memref_slice %arg4[%mul3A_56, %dma_wait3A] : memref<4096x128xf32, #tpu.memory_space<hbm>> -> memref<128x128xf32, #tpu.memory_space<hbm>>
      %dma_wait3A_62 = arith.constant 0 : i32
      %dma_wait3A_63 = tpu.memref_slice %arg4[%mul3A_56, %dma_wait3A_62] : memref<4096x128xf32, #tpu.memory_space<hbm>> -> memref<128x128xf32, #tpu.memory_space<hbm>>
      tpu.wait_dma2 semaphore(%run_scoped3A : memref<!tpu.dma_semaphore, #tpu.memory_space<semaphore_mem>>) src(%arg7 : memref<128x128xf32, #tpu.memory_space<vmem>>) dst(%dma_wait3A_63 : memref<128x128xf32, #tpu.memory_space<hbm>>)
      tpu.yield
    }) : () -> ()
    return
  }
}

module attributes {stable_mosaic.version = 14 : i64} {
  func.func @_mlp_body(%arg0: memref<4096x128xf32, #tpu.memory_space<vmem>>, %arg1: memref<128x128xf32, #tpu.memory_space<vmem>>, %arg2: memref<1x128xf32, #tpu.memory_space<vmem>>, %arg3: memref<128x2xf32, #tpu.memory_space<vmem>>, %arg4: memref<1x2xf32, #tpu.memory_space<vmem>>, %arg5: memref<4096x2xf32, #tpu.memory_space<vmem>>) attributes {dimension_semantics = [], scalar_prefetch = 0 : i64, scratch_operands = 0 : i64, tpu.core_type = #tpu.core_type<tc>} {
    %get3A = arith.constant 0 : index
    %get3A_0 = arith.constant 0 : index
    %get3A_1 = vector.load %arg0[%get3A, %get3A_0] : memref<4096x128xf32, #tpu.memory_space<vmem>>, vector<4096x128xf32>
    %get3A_2 = arith.constant 0 : index
    %get3A_3 = arith.constant 0 : index
    %get3A_4 = vector.load %arg1[%get3A_2, %get3A_3] : memref<128x128xf32, #tpu.memory_space<vmem>>, vector<128x128xf32>
    %dot_general3A = arith.constant dense<0.000000e+00> : vector<4096x128xf32>
    %dot_general3A_5 = tpu.matmul %get3A_1, %get3A_4, %dot_general3A {dimension_numbers = #tpu.dot_dimension_numbers<[1], [0], [0], [1], [0, 0, 1, 1], [], []>, transpose_lhs_hint = false} : vector<4096x128xf32>, vector<128x128xf32>, vector<4096x128xf32> -> vector<4096x128xf32>
    %get3A_6 = arith.constant 0 : index
    %get3A_7 = arith.constant 0 : index
    %get3A_8 = vector.load %arg2[%get3A_6, %get3A_7] : memref<1x128xf32, #tpu.memory_space<vmem>>, vector<1x128xf32>
    %add3A = vector.broadcast %get3A_8 : vector<1x128xf32> to vector<4096x128xf32>
    %add3A_9 = arith.addf %dot_general3A_5, %add3A : vector<4096x128xf32>
    %max3A = arith.constant 0.000000e+00 : f32
    %max3A_10 = vector.broadcast %max3A : f32 to vector<4096x128xf32>
    %max3A_11 = arith.maximumf %add3A_9, %max3A_10 : vector<4096x128xf32>
    %get3A_12 = arith.constant 0 : index
    %get3A_13 = arith.constant 0 : index
    %get3A_14 = vector.load %arg3[%get3A_12, %get3A_13] : memref<128x2xf32, #tpu.memory_space<vmem>>, vector<128x2xf32>
    %dot_general3A_15 = arith.constant dense<0.000000e+00> : vector<4096x2xf32>
    %dot_general3A_16 = tpu.matmul %max3A_11, %get3A_14, %dot_general3A_15 {dimension_numbers = #tpu.dot_dimension_numbers<[1], [0], [0], [1], [0, 0, 1, 1], [], []>, transpose_lhs_hint = false} : vector<4096x128xf32>, vector<128x2xf32>, vector<4096x2xf32> -> vector<4096x2xf32>
    %get3A_17 = arith.constant 0 : index
    %get3A_18 = arith.constant 0 : index
    %get3A_19 = vector.load %arg4[%get3A_17, %get3A_18] : memref<1x2xf32, #tpu.memory_space<vmem>>, vector<1x2xf32>
    %add3A_20 = vector.broadcast %get3A_19 : vector<1x2xf32> to vector<4096x2xf32>
    %add3A_21 = arith.addf %dot_general3A_16, %add3A_20 : vector<4096x2xf32>
    %swap3A = arith.constant 0 : index
    %swap3A_22 = arith.constant 0 : index
    %swap3A_23 = vector.load %arg5[%swap3A, %swap3A_22] : memref<4096x2xf32, #tpu.memory_space<vmem>>, vector<4096x2xf32>
    tpu.vector_store %arg5[%swap3A, %swap3A_22], %add3A_21 {strides = array<i32>} : memref<4096x2xf32, #tpu.memory_space<vmem>>, vector<4096x2xf32>,
    return
  }
}

</mosaic_0001>

<sc_bundles>
// kernel: kernel.4.cloned.1.call-start
scs
__scs_entry_jumppad:
0x0: {  	(pc) =	sbr.rel $0x88, $3  }
0x1: {  	(tag) =	ssettag $0x0;
	lr =	simm.s32 $0x1  }
0x2: {  	[smem:$0x3F9B] =	sst lr;
	_ =	strace $0xD0000000  }
0x3: {  	_ = 	snop  }
0x4: {  	_ = 	snop  }
0x5: {  	_ = 	snop  }
0x6: {  	_ = 	snop  }
0x7: {  	_ = 	snop  }
__scs_overlays_trampoline_lowered:
0x8: {  	[smem:$0x3FAA] =	sst s0  }
0x9: {  	[smem:$0x3FAB] =	sst s1  }
0xa: {  	[smem:$0x3FAC] =	sst s2  }
0xb: {  	[smem:$0x3FAD] =	sst s3  }
0xc: {  	[smem:$0x3FAE] =	sst s4  }
0xd: {  	[smem:$0x3FAF] =	sst s5  }
0xe: {  	[smem:$0x3FB0] =	sst s6  }
0xf: {  	[smem:$0x3FB1] =	sst s7  }
0x10: {  	[smem:$0x3FB2] =	sst s8  }
0x11: {  	[smem:$0x3FB3] =	sst s9;
	s0 =	simm.s32 @!p0 $0x0  }
0x12: {  	s1 =	sld [smem:$0x3F99];
	s0 =	simm.s32 @p0 $0x1  }
0x13: {  	[smem:$0x3FB4] =	sst s0;
	s0 =	simm.s32 @!p1 $0x0  }
0x14: {  	s2 =	sld [smem:$0x3F98];
	s0 =	simm.s32 @p1 $0x1  }
0x15: {  	[smem:$0x3FB5] =	sst s0;
	s0 =	simm.s32 @!p2 $0x0  }
0x16: {  	s3 =	sld [smem:$0x3FDB];
	s0 =	simm.s32 @p2 $0x1  }
0x17: {  	s4 =	simm.s32 $0x1BF5;
	[smem:$0x3FB7] =	sst s0  }
0x18: {  	s0 =	sld [smem:$0x3F9A];
	_ =	swait.ge [sflag:s4], $0x0  }
0x19: {  	s7 =	sld [smem:$0x3F9B]  }
0x1a: {  	s8 =	sadd.s32 $0xFFFFE003, lr  }
0x1b: {  	s9 =	sadd.s32 $0xFFFFFEF7, lr;
	s5 =	simm.s32 $0xFFFFFFFF;
	p2 =	slt.u32 s8, $0xFFFFF086  }
0x1c: {  	p1 =	slt.u32 s9, $0xF7A;
	s5 =	simm.s32 @!p2 $0x0  }
0x1d: {  	s5 =	simm.s32 @p1 $0x1;
	p0 =	seq.s32 s7, s2  }
0x1e: {  	s7 =	smul.u32 @!p0 $0xF7A, s2;
	p2 =	seq.s32 @!p0 s5, $0x0  }
0x1f: {  	s9 =	smul.u32 $0xF7A, s1;
	s8 =	simm.s32 @!p0 $0x1BF5;
	p2 =	por !p2, p0  }
0x20: {  	[sflag:s8] =	ssyncset.s32 @!p0 $0xFFFFF086;
	s6 =	sadd.s32 @!p0 s3, s7;
	s7 =	simm.s32 @!p0 $0x108  }
0x21: {  	s3 =	sadd.s32 s3, s9;
	s6 =	sadd.s32 @!p0 $0x88, s6;
	s7 =	simm.s32 @p2 $0x1082  }
0x22: {  	[simem:s7], [sflag:s8] =	dma.local @!p0 [hbm:s6], $0xF7A  }
0x23: {  	s9 =	sor.u32 $0xD0000000, s2;
	s6 =	simm.s32 $0x108;
	_ =	swait.ge @!p0 [sflag:s8], $0x0  }
0x24: {  	s3 =	sadd.s32 $0x88, s3;
	s6 =	simm.s32 @!p1 $0x1082;
	[sflag:s4] =	ssyncset.s32 $0xFFFFF086  }
0x25: {  	[simem:s6], [sflag:s4] =	dma.local [hbm:s3], $0xF7A  }
0x26: {  	[smem:$0x3F9B] =	sst s1;
	(tag) =	ssettag s2;
	_ =	strace s9  }
0x27: {  	s1 =	sld [smem:$0x3FAB]  }
0x28: {  	s2 =	sld [smem:$0x3FAC]  }
0x29: {  	s4 =	sld [smem:$0x3FAE]  }
0x2a: {  	p0 =	seq.s32 s5, $0x0;
	s5 =	sld [smem:$0x3FAF]  }
0x2b: {  	s6 =	sld [smem:$0x3FB0]  }
0x2c: {  	s7 =	sld [smem:$0x3FB1]  }
0x2d: {  	s3 =	simm.s32 $0x108;
	s8 =	sld [smem:$0x3FB2]  }
0x2e: {  	s3 =	simm.s32 @!p0 $0x1082;
	s9 =	sld [smem:$0x3FB3]  }
0x2f: {  	lr =	sadd.s32 s0, s3;
	s0 =	sld [smem:$0x3FAA]  }
0x30: {  	s3 =	sld [smem:$0x3FAD]  }
0x31: {  	[smem:$0x3FB6] =	sst s10  }
0x32: {  	s10 =	sld [smem:$0x3FB4];
	_ =	sdelay $0x3  }
0x33: {  	p0 =	seq.s32 s10, $0x1;
	s10 =	sld [smem:$0x3FB6];
	_ =	sdelay $0x3  }
0x34: {  	[smem:$0x3FB6] =	sst s10  }
0x35: {  	s10 =	sld [smem:$0x3FB5];
	_ =	sdelay $0x3  }
0x36: {  	p1 =	seq.s32 s10, $0x1;
	s10 =	sld [smem:$0x3FB6];
	_ =	sdelay $0x3  }
0x37: {  	[smem:$0x3FB6] =	sst s10  }
0x38: {  	s10 =	sld [smem:$0x3FB7]  }
0x39: {  	_ = 	snop;
	(pc) =	sbr.ind lr, $3  }
0x3a: {  	_ = 	snop  }
0x3b: {  	_ = 	snop  }
0x3c: {  	p2 =	seq.s32 s10, $0x1;
	s10 =	sld [smem:$0x3FB6]  }
0x3d: {  	_ =	shalt  }
0x3e: {  	_ =	shalt  }
0x3f: {  	_ =	shalt  }
0x40: {  	_ =	shalt  }
0x41: {  	_ =	shalt  }
0x42: {  	_ =	shalt  }
0x43: {  	_ =	shalt  }
0x44: {  	_ =	shalt  }
0x45: {  	_ =	shalt  }
0x46: {  	_ =	shalt  }
0x47: {  	_ =	shalt  }
0x48: {  	_ =	shalt  }
0x49: {  	_ =	shalt  }
0x4a: {  	_ =	shalt  }
0x4b: {  	_ =	shalt  }
0x4c: {  	_ =	shalt  }
0x4d: {  	_ =	shalt  }
0x4e: {  	_ =	shalt  }
0x4f: {  	_ =	shalt  }
0x50: {  	_ =	shalt  }
0x51: {  	_ =	shalt  }
0x52: {  	_ =	shalt  }
0x53: {  	_ =	shalt  }
0x54: {  	_ =	shalt  }
0x55: {  	_ =	shalt  }
0x56: {  	_ =	shalt  }
0x57: {  	_ =	shalt  }
0x58: {  	_ =	shalt  }
0x59: {  	_ =	shalt  }
0x5a: {  	_ =	shalt  }
0x5b: {  	_ =	shalt  }
0x5c: {  	_ =	shalt  }
0x5d: {  	_ =	shalt  }
0x5e: {  	_ =	shalt  }
0x5f: {  	_ =	shalt  }
0x60: {  	_ =	shalt  }
0x61: {  	_ =	shalt  }
0x62: {  	_ =	shalt  }
0x63: {  	_ =	shalt  }
0x64: {  	_ =	shalt  }
0x65: {  	_ =	shalt  }
0x66: {  	_ =	shalt  }
0x67: {  	_ =	shalt  }
0x68: {  	_ =	shalt  }
0x69: {  	_ =	shalt  }
0x6a: {  	_ =	shalt  }
0x6b: {  	_ =	shalt  }
0x6c: {  	_ =	shalt  }
0x6d: {  	_ =	shalt  }
0x6e: {  	_ =	shalt  }
0x6f: {  	_ =	shalt  }
0x70: {  	_ =	shalt  }
0x71: {  	_ =	shalt  }
0x72: {  	_ =	shalt  }
0x73: {  	_ =	shalt  }
0x74: {  	_ =	shalt  }
0x75: {  	_ =	shalt  }
0x76: {  	_ =	shalt  }
0x77: {  	_ =	shalt  }
0x78: {  	_ =	shalt  }
0x79: {  	_ =	shalt  }
0x7a: {  	_ =	shalt  }
0x7b: {  	_ =	shalt  }
0x7c: {  	_ =	shalt  }
0x7d: {  	_ =	shalt  }
0x7e: {  	_ =	shalt  }
0x7f: {  	_ =	shalt  }
0x80: {  	_ =	shalt  }
0x81: {  	_ =	shalt  }
0x82: {  	_ =	shalt  }
0x83: {  	_ =	shalt  }
0x84: {  	_ =	shalt  }
0x85: {  	_ =	shalt  }
0x86: {  	_ =	shalt  }
0x87: {  	_ =	shalt  }
.Lfunc_end0:
.L_simem_size_0:
called_computation_lowered:
.L_overlay_start_0:
0x88: {  	s2 =	sld [smem:$0x3FD9]  }
0x89: {  	s3 =	sld [smem:$0x3FFE];
	_ =	sdelay $0x1  }
0x8a: {  	s1 =	srdreg.scid  }
0x8b: {  	s0 =	sand.u32 $0x1, s1  }
0x8c: {  	s17 =	sshll.u32 s0, $0xA;
	s2 =	sadd.s32 s3, s2  }
0x8d: {  	s2 =	sadd.s32 s2, s17  }
0x8e: {  	[smem:$0x3FC2] =	sst s2  }
0x8f: {  	_ = 	snop  }
0x90: {  	s2 =	sld [smem:$0x3FC8];
	(tm) =	ssettm $0x1  }
0x91: {  	s18 =	sld [smem:$0x3FFB];
	_ =	sdelay $0x3  }
0x92: {  	_ =	strace s18  }
0x93: {  	s3 =	sld [smem:$0x3FFC];
	_ =	sdelay $0x3  }
0x94: {  	_ =	strace s3  }
0x95: {  	s3 =	sld [smem:$0x3FFD];
	_ =	sdelay $0x3  }
0x96: {  	_ =	strace s3  }
0x97: {  	_ =	strace $0x8FFFFFFF  }
0x98: {  	s19 =	sld [smem:$0x3FDB];
	_ =	sdelay $0x1  }
0x99: {  	s4 =	simm.s32 $_scs_section_size  }
0x9a: {  	s5 =	simm.s32 $_size__tile_overlayer_lowered;
	s6 =	simm.s32 $_tile_overlayer_lowered  }
0x9b: {  	s22 =	simm.s32 $0x1BFF;
	s21 =	sshll.u32 s6, $0x1;
	s3 =	sadd.s32 s4, s19  }
0x9c: {  	s7 =	simm.s32 $0x0;
	s20 =	sshll.u32 s5, $0x1;
	s5 =	sadd.s32 s21, s3  }
0x9d: {  	[timem:s7], [sflag:s22] =	dma.local [hbm:s5], s20  }
0x9e: {  	_ =	swait.ge [sflag:s22], s20  }
0x9f: {  	s4 =	ssub.s32 $0x0, s20;
	[sflag:s22] =	ssyncset.done $0x0  }
0xa0: {  	[sflag:s22] =	ssyncadd.s32 s4;
	_ =	sdelay $0x1  }
0xa1: {  	s23 =	simm.s32 $0x1B8B  }
0xa2: {  	_ =	swait.ge [sflag:s23], $0x1  }
0xa3: {  	[sflag:s23] =	ssyncset.done $0x0  }
0xa4: {  	s25 =	simm.s32 $0x1B8E;
	s24 =	sld [smem:$0x3FFE];
	[sflag:s23] =	ssyncadd.s32 $0xFFFFFFFF  }
0xa5: {  	s26 =	simm.s32 $execute0_lowered;
	[smem:$0x3FD2] =	sst s25  }
0xa6: {  	s5 =	sshll.u32 s26, $0x1;
	_ =	strace $0x80000046;
	[dreg:$0x1] =	wrdreg $0xFFFFFFFF  }
0xa7: {  	s28 =	simm.s32 $_size_execute0_lowered;
	s3 =	sadd.s32 s3, s5;
	[dreg:$0x0] =	wrdreg $0x0  }
0xa8: {  	s5 =	sshll.u32 s28, $0x1;
	[dreg:$0x2] =	wrdreg s3  }
0xa9: {  	[dreg:$0x3] =	wrdreg s5  }
0xaa: {  	[dreg:$0x4] =	wrdreg $0xC0  }
0xab: {  	_ =	task [dreg:s7], $0x5FFFF  }
0xac: {  	[dreg:$0x1] =	wrdreg $0xFFFFFFFF  }
0xad: {  	[dreg:$0x0] =	wrdreg $0x60  }
0xae: {  	[dreg:$0x2] =	wrdreg s24  }
0xaf: {  	[dreg:$0x3] =	wrdreg s2  }
0xb0: {  	[dreg:$0x4] =	wrdreg $0x9  }
0xb1: {  	_ =	task.clear_ibuf [dreg:s7], $0x5FFFF;
	_ =	strace $0x90000046  }
0xb2: {  	s29 =	simm.s32 $0x9;
	_ =	strace $0x80000048  }
0xb3: {  	_ =	swait.ge [sflag:s29], $0x1  }
0xb4: {  	[sflag:s29] =	ssyncadd.s32 $0xFFFFFFFF  }
0xb5: {  	_ =	strace $0x90000048  }
0xb6: {  	_ =	sfence  }
0xb7: {  	s30 =	sld [smem:$0x0];
	_ =	sdelay $0x2  }
0xb8: {  	s31 =	sshll.u32 s1, $0xD;
	s1 =	sshrl.u32 s1, $0x2  }
0xb9: {  	s3 =	sand.u32 $0x4000, s31;
	s1 =	sadd.s32 s1, s30  }
0xba: {  	s0 =	sor.u32 s3, s0;
	s1 =	sshll.u32 s1, $0x11  }
0xbb: {  	s0 =	sor.u32 s1, s0  }
0xbc: {  	s0 =	sadd.s32 $0x8F2B, s0  }
0xbd: {  	[sflag:s0] =	ssyncadd.remote.s32 $0x1  }
0xbe: {  	_ =	sfence.sel $0xFFFF  }
0xbf: {  	[dreg:$0x0] =	wrdreg $0xFFFFFFFF;
	(pc) =	sbr.abs _section_cstart, $3  }
0xc0: {  	[dreg:$0x1] =	wrdreg $0xFFFFFFFF  }
0xc1: {  	_ =	task.clear_ibuf [dreg:s7], $0x2FFFF;
	_ =	strace $0x9FFFFFFF  }
0xc2: {  	(tm) =	ssettm $0x7FFFFFFF  }
0xc3: {  	_ =	shalt  }
tec
execute0_lowered:
.L_overlay_start_1:
0x0: {  	(tag) =	ssettag $0x1  }
0x1: {  	s4 =	rddreg [dreg:$0x0]  }
0x2: {  	s2 =	rddreg [dreg:$0x1]  }
0x3: {  	s0 =	rddreg [dreg:$0x2]  }
0x4: {  	s3 =	simm.s32 $0x0;
	s5 =	srdreg.scid;
	s1 =	stileid.u32  }
0x5: {  	s9 =	simm.s32 $0x8000;
	s10 =	simm.s32 $0x80;
	s11 =	simm.s32 $0xB400  }
0x6: {  	s12 =	simm.s32 $0x100;
	s13 =	simm.s32 $0xE800;
	s14 =	simm.s32 $0x180  }
0x7: {  	s15 =	simm.s32 $0x11C00;
	s16 =	simm.s32 $0x1;
	s17 =	simm.s32 $0x2  }
0x8: {  	s18 =	simm.s32 $0x3;
	s19 =	simm.s32 $0x4;
	s20 =	simm.s32 $0x15000  }
0x9: {  	[smem:$0x7FF] =	sst s3;
	s5 =	sand.u32 $0x1, s5;
	s6 =	sshll.u32 s1, $0x1  }
0xa: {  	s21 =	simm.s32 $0x0;
	_ =	strace $0x80000047;
	s6 =	sor.u32 s5, s6  }
0xb: {  	s5 =	ssub.s32 $0x2, s5;
	s7 =	sshll.u32 s6, $0xC;
	s6 =	sshll.u32 s6, $0xB  }
0xc: {  	s8 =	sshrl.u32 s5, $0x1;
	s7 =	sadd.s32 s7, s4;
	s6 =	sadd.s32 s6, s4  }
0xd: {  	s8 =	ssub.s32 s5, s8;
	s4 =	sadd.s32 $0xE00, s7;
	s5 =	sadd.s32 $0x20E00, s6  }
0xe: {  	s6 =	smax.u32 s8, $0x1;
	s7 =	simm.s32 $0x5;
	s8 =	simm.s32 $0x30  }
.LBB2_1:
0xf: {  	[tilespmem:s3], [sflag:$0x5] =	stream.linear.gather [hbm4b:s4+s3], $0x8000, $0x38;
	[tilespmem:$0x19000] =	vst v63  }
0x10: {  	_ =	swait.ge [sflag:s7], $0x8000  }
0x11: {  	[sflag:s7] =	ssyncset.done $0x0  }
0x12: {  	[sflag:s7] =	ssyncadd.s32 $0xFFFF8000  }
0x13: {  	[tilespmem:s9], [sflag:$0x1] =	stream.indirect.gather [hbm4b:s2+s8], $0x80, s3, s8, $0xb8;
	[tilespmem:$0x19000] =	vst v63  }
0x14: {  	_ = 	snop  }
0x15: {  	[tilespmem:s11], [sflag:$0x2] =	stream.indirect.gather [hbm4b:s2+s8], $0x80, s10, s8, $0xb8;
	[tilespmem:$0x19000] =	vst v63  }
0x16: {  	_ = 	snop  }
0x17: {  	[tilespmem:s13], [sflag:$0x3] =	stream.indirect.gather [hbm4b:s2+s8], $0x80, s12, s8, $0xb8;
	[tilespmem:$0x19000] =	vst v63  }
0x18: {  	s22 =	simm.s32 $0x0  }
0x19: {  	[tilespmem:s15], [sflag:$0x4] =	stream.indirect.gather [hbm4b:s2+s8], $0x80, s14, s8, $0xb8;
	[tilespmem:$0x19000] =	vst v63  }
.LBB2_2:
0x1a: {  	_ =	swait.ge [sflag:s16], $0x1800  }
0x1b: {  	[sflag:s16] =	ssyncset.done $0x0  }
0x1c: {  	s24 =	simm.s32 $0x8100;
	[sflag:s16] =	ssyncadd.s32 $0xFFFFE800  }
0x1d: {  	v0 =	vld [tilespmem:s24+$0x80]  }
0x1e: {  	v1 =	vld [tilespmem:s24+$0x90]  }
0x1f: {  	v6 =	vld [tilespmem:s24+$0xA0]  }
0x20: {  	v7 =	vld [tilespmem:s24+$0xB0]  }
0x21: {  	v4 =	vld [tilespmem:s24+$0xC0]  }
0x22: {  	v5 =	vld [tilespmem:s24+$0xD0]  }
0x23: {  	v2 =	vld [tilespmem:s24+$0x0]  }
0x24: {  	v3 =	vld [tilespmem:s24+$0x10]  }
0x25: {  	v10 =	vld [tilespmem:s24+$0x20]  }
0x26: {  	v11 =	vld [tilespmem:s24+$0x30]  }
0x27: {  	v8 =	vld [tilespmem:s24+$0x40]  }
0x28: {  	v9 =	vld [tilespmem:s24+$0x50]  }
0x29: {  	v12 =	vld [tilespmem:s24+$0xFFFFFF80]  }
0x2a: {  	v13 =	vld [tilespmem:s24+$0xFFFFFF90]  }
0x2b: {  	v14 =	vld [tilespmem:s24+$0xFFFFFF00]  }
0x2c: {  	v15 =	vld [tilespmem:s24+$0xFFFFFF10]  }
0x2d: {  	v16 =	vld [tilespmem:s24+$0xFFFFFF20]  }
0x2e: {  	v17 =	vld [tilespmem:s24+$0xFFFFFF30]  }
0x2f: {  	v18 =	vld [tilespmem:s24+$0xFFFFFFA0]  }
0x30: {  	v19 =	vld [tilespmem:s24+$0xFFFFFFB0]  }
0x31: {  	v20 =	vimm.f32 $0.0e+00;
	v21 =	vld [tilespmem:s24+$0xFFFFFFC0]  }
0x32: {  	v22 =	vld [tilespmem:s24+$0xFFFFFFD0];
	v14 =	vadd.f32 v14, v20;
	v15 =	vadd.f32 v15, v20  }
0x33: {  	v23 =	vld [tilespmem:s24+$0xFFFFFF40];
	v16 =	vadd.f32 v16, v20;
	v17 =	vadd.f32 v17, v20  }
0x34: {  	v24 =	vld [tilespmem:s24+$0xFFFFFF50];
	v12 =	vadd.f32 v12, v14;
	v13 =	vadd.f32 v13, v15  }
0x35: {  	v14 =	vld [tilespmem:s24+$0xFFFFFF60];
	v15 =	vadd.f32 v18, v16;
	v16 =	vadd.f32 v19, v17  }
0x36: {  	v17 =	vld [tilespmem:s24+$0xFFFFFF70];
	v2 =	vadd.f32 v2, v12;
	v13 =	vadd.f32 v3, v13  }
0x37: {  	v12 =	vld [tilespmem:s24+$0xFFFFFFE0];
	v10 =	vadd.f32 v10, v15;
	v11 =	vadd.f32 v11, v16  }
0x38: {  	v15 =	vld [tilespmem:s24+$0xFFFFFFF0];
	v3 =	vadd.f32 v0, v2;
	v2 =	vadd.f32 v1, v13  }
0x39: {  	v16 =	vld [tilespmem:s24+$0x70];
	v1 =	vadd.f32 v6, v10;
	v0 =	vadd.f32 v7, v11  }
0x3a: {  	v13 =	vld [tilespmem:s24+$0x60];
	v6 =	vadd.f32 v23, v20;
	v7 =	vadd.f32 v24, v20  }
0x3b: {  	v18 =	vadd.f32 v14, v20;
	v19 =	vadd.f32 v17, v20;
	v14 =	vld [tilespmem:s24+$0xE0]  }
0x3c: {  	s23 =	simm.s32 $0x0;
	v17 =	vld [tilespmem:s24+$0xF0];
	s24 =	simm.s32 $0x8300;
	v20 =	vadd.f32 v21, v6;
	v21 =	vadd.f32 v22, v7  }
.LBB2_3:
0x3d: {  	v6 =	vld [tilespmem:s24+$0x80];
	v7 =	vadd.f32 v12, v18;
	v10 =	vadd.f32 v15, v19  }
0x3e: {  	v11 =	vld [tilespmem:s24+$0x90];
	v8 =	vadd.f32 v8, v20;
	v9 =	vadd.f32 v9, v21  }
0x3f: {  	v18 =	vld [tilespmem:s24+$0xA0];
	v7 =	vadd.f32 v13, v7;
	v10 =	vadd.f32 v16, v10  }
0x40: {  	v16 =	vld [tilespmem:s24+$0xB0];
	v19 =	vadd.f32 v4, v8;
	v20 =	vadd.f32 v5, v9  }
0x41: {  	v4 =	vld [tilespmem:s24+$0xC0];
	v7 =	vadd.f32 v14, v7;
	v10 =	vadd.f32 v17, v10  }
0x42: {  	v5 =	vld [tilespmem:s24+$0xD0]  }
0x43: {  	v12 =	vld [tilespmem:s24+$0x0]  }
0x44: {  	v13 =	vld [tilespmem:s24+$0x10]  }
0x45: {  	v14 =	vld [tilespmem:s24+$0x20]  }
0x46: {  	v15 =	vld [tilespmem:s24+$0x30]  }
0x47: {  	v8 =	vld [tilespmem:s24+$0x40]  }
0x48: {  	v9 =	vld [tilespmem:s24+$0x50]  }
0x49: {  	v17 =	vld [tilespmem:s24+$0xFFFFFF80]  }
0x4a: {  	v21 =	vld [tilespmem:s24+$0xFFFFFF90]  }
0x4b: {  	v22 =	vld [tilespmem:s24+$0xFFFFFF00]  }
0x4c: {  	v23 =	vld [tilespmem:s24+$0xFFFFFF10]  }
0x4d: {  	v24 =	vld [tilespmem:s24+$0xFFFFFF20]  }
0x4e: {  	v25 =	vld [tilespmem:s24+$0xFFFFFF30]  }
0x4f: {  	v26 =	vld [tilespmem:s24+$0xFFFFFFA0]  }
0x50: {  	v27 =	vld [tilespmem:s24+$0xFFFFFFB0]  }
0x51: {  	v28 =	vld [tilespmem:s24+$0xFFFFFFC0]  }
0x52: {  	v3 =	vadd.f32 v22, v3;
	v2 =	vadd.f32 v23, v2;
	v22 =	vld [tilespmem:s24+$0xFFFFFFD0]  }
0x53: {  	v1 =	vadd.f32 v24, v1;
	v0 =	vadd.f32 v25, v0;
	v23 =	vld [tilespmem:s24+$0xFFFFFF40]  }
0x54: {  	v3 =	vadd.f32 v17, v3;
	v2 =	vadd.f32 v21, v2;
	v24 =	vld [tilespmem:s24+$0xFFFFFF50]  }
0x55: {  	v1 =	vadd.f32 v26, v1;
	v17 =	vld [tilespmem:s24+$0xFFFFFF60];
	v0 =	vadd.f32 v27, v0  }
0x56: {  	s23 =	sadd.s32 $0x4, s23;
	v3 =	vadd.f32 v12, v3;
	v2 =	vadd.f32 v13, v2;
	v21 =	vld [tilespmem:s24+$0xFFFFFF70]  }
0x57: {  	p0 =	slt.u32 s23, $0x60;
	v1 =	vadd.f32 v14, v1;
	v12 =	vld [tilespmem:s24+$0xFFFFFFE0];
	v0 =	vadd.f32 v15, v0  }
.Ltmp0:
0x58: {  	v3 =	vadd.f32 v6, v3;
	v2 =	vadd.f32 v11, v2;
	v15 =	vld [tilespmem:s24+$0xFFFFFFF0];
	(pc) =	sbr.rel @p0 .LBB2_3-.Ltmp0, $4  }
0x59: {  	v1 =	vadd.f32 v18, v1;
	v13 =	vld [tilespmem:s24+$0x60];
	v0 =	vadd.f32 v16, v0  }
0x5a: {  	v6 =	vadd.f32 v23, v19;
	v11 =	vadd.f32 v24, v20;
	v16 =	vld [tilespmem:s24+$0x70]  }
0x5b: {  	v18 =	vadd.f32 v17, v7;
	v19 =	vadd.f32 v21, v10;
	v14 =	vld [tilespmem:s24+$0xE0]  }
0x5c: {  	v20 =	vadd.f32 v28, v6;
	v21 =	vadd.f32 v22, v11;
	v17 =	vld [tilespmem:s24+$0xF0];
	s24 =	sadd.s32 $0x200, s24  }
0x5d: {  	s23 =	sshll.u32 s22, $0xB;
	p0 =	seq.s32 s22, $0x3F  }
0x5e: {  	s23 =	sshrl.u32 @!p0 s23, $0x2  }
0x5f: {  	s25 =	simm.s32 @!p0 $0x30;
	s26 =	simm.s32 @!p0 $0x8000;
	s24 =	sadd.s32 @!p0 $0x200, s23  }
0x60: {  	[tilespmem:s26], [sflag:$0x1] =	stream.indirect.gather @!p0 [hbm4b:s2+s25], $0x80, s24, s25, $0xb8;
	[tilespmem:$0x19000] =	vst v63  }
0x61: {  	_ =	swait.ge [sflag:s17], $0x1800  }
0x62: {  	[sflag:s17] =	ssyncset.done $0x0  }
0x63: {  	s31 =	simm.s32 $0xB5F0;
	[sflag:s17] =	ssyncadd.s32 $0xFFFFE800  }
0x64: {  	v22 =	vld [tilespmem:s31+$0xFFFFFF90]  }
0x65: {  	v23 =	vld [tilespmem:s31+$0xFFFFFFA0]  }
0x66: {  	v24 =	vld [tilespmem:s31+$0xFFFFFFB0]  }
0x67: {  	v25 =	vld [tilespmem:s31+$0xFFFFFFC0]  }
0x68: {  	v6 =	vld [tilespmem:s31+$0xFFFFFFD0]  }
0x69: {  	v7 =	vld [tilespmem:s31+$0xFFFFFFE0]  }
0x6a: {  	v26 =	vld [tilespmem:s31+$0xFFFFFF10]  }
0x6b: {  	v27 =	vld [tilespmem:s31+$0xFFFFFF20]  }
0x6c: {  	v28 =	vld [tilespmem:s31+$0xFFFFFF30]  }
0x6d: {  	v29 =	vld [tilespmem:s31+$0xFFFFFF40]  }
0x6e: {  	v10 =	vld [tilespmem:s31+$0xFFFFFF50]  }
0x6f: {  	v11 =	vld [tilespmem:s31+$0xFFFFFF60]  }
0x70: {  	v30 =	vld [tilespmem:s31+$0xFFFFFE90]  }
0x71: {  	v31 =	vld [tilespmem:s31+$0xFFFFFEA0]  }
0x72: {  	v32 =	vld [tilespmem:s31+$0xFFFFFE10]  }
0x73: {  	v33 =	vld [tilespmem:s31+$0xFFFFFE20]  }
0x74: {  	v12 =	vadd.f32 v12, v18;
	v15 =	vadd.f32 v15, v19;
	v18 =	vld [tilespmem:s31+$0xFFFFFE30]  }
0x75: {  	v8 =	vadd.f32 v8, v20;
	v19 =	vadd.f32 v9, v21;
	v20 =	vld [tilespmem:s31+$0xFFFFFE40]  }
0x76: {  	v12 =	vadd.f32 v13, v12;
	v13 =	vadd.f32 v16, v15;
	v15 =	vld [tilespmem:s31+$0xFFFFFEB0]  }
0x77: {  	v9 =	vadd.f32 v4, v8;
	v5 =	vadd.f32 v5, v19;
	v16 =	vld [tilespmem:s31+$0xFFFFFEC0]  }
0x78: {  	v19 =	vimm.f32 $0.0e+00;
	v8 =	vadd.f32 v14, v12;
	v4 =	vadd.f32 v17, v13;
	v34 =	vld [tilespmem:s31+$0xFFFFFED0]  }
0x79: {  	v61 =	vld [tilespmem:s31+$0xFFFFFEE0];
	v12 =	vadd.f32 v32, v19;
	v13 =	vadd.f32 v33, v19  }
0x7a: {  	v21 =	vld [tilespmem:s31+$0xFFFFFE50];
	v14 =	vadd.f32 v18, v19;
	v17 =	vadd.f32 v20, v19  }
0x7b: {  	v62 =	vld [tilespmem:s31+$0xFFFFFE60];
	v12 =	vadd.f32 v30, v12;
	v13 =	vadd.f32 v31, v13  }
0x7c: {  	v63 =	vld [tilespmem:s31+$0xFFFFFE70];
	v14 =	vadd.f32 v15, v14;
	v15 =	vadd.f32 v16, v17  }
0x7d: {  	v16 =	vld [tilespmem:s31+$0xFFFFFE80];
	v12 =	vadd.f32 v26, v12;
	v13 =	vadd.f32 v27, v13  }
0x7e: {  	v18 =	vld [tilespmem:s31+$0xFFFFFEF0];
	v26 =	vadd.f32 v28, v14;
	v27 =	vadd.f32 v29, v15  }
0x7f: {  	v20 =	vld [tilespmem:s31+$0xFFFFFF00];
	v15 =	vadd.f32 v22, v12;
	v14 =	vadd.f32 v23, v13  }
0x80: {  	v17 =	vld [tilespmem:s31+$0xFFFFFF70];
	v13 =	vadd.f32 v24, v26;
	v12 =	vadd.f32 v25, v27  }
0x81: {  	v22 =	vadd.f32 v21, v19;
	v23 =	vadd.f32 v62, v19;
	v21 =	vld [tilespmem:s31+$0xFFFFFF80]  }
0x82: {  	v24 =	vadd.f32 v63, v19;
	v25 =	vadd.f32 v16, v19;
	v16 =	vld [tilespmem:s31+$0xFFFFFFF0]  }
0x83: {  	s24 =	simm.s32 $0x0;
	s25 =	simm.s32 $0xB7F0;
	v19 =	vld [tilespmem:s31+$0x0];
	v22 =	vadd.f32 v34, v22;
	v23 =	vadd.f32 v61, v23  }
.LBB2_5:
0x84: {  	v26 =	vld [tilespmem:s25+$0xFFFFFF90];
	v18 =	vadd.f32 v18, v24;
	v20 =	vadd.f32 v20, v25  }
0x85: {  	v24 =	vld [tilespmem:s25+$0xFFFFFFA0];
	v10 =	vadd.f32 v10, v22;
	v11 =	vadd.f32 v11, v23  }
0x86: {  	v22 =	vld [tilespmem:s25+$0xFFFFFFB0];
	v17 =	vadd.f32 v17, v18;
	v18 =	vadd.f32 v21, v20  }
0x87: {  	v21 =	vld [tilespmem:s25+$0xFFFFFFC0];
	v23 =	vadd.f32 v6, v10;
	v25 =	vadd.f32 v7, v11  }
0x88: {  	v6 =	vld [tilespmem:s25+$0xFFFFFFD0];
	v16 =	vadd.f32 v16, v17;
	v19 =	vadd.f32 v19, v18  }
0x89: {  	v7 =	vld [tilespmem:s25+$0xFFFFFFE0]  }
0x8a: {  	v17 =	vld [tilespmem:s25+$0xFFFFFF10]  }
0x8b: {  	v18 =	vld [tilespmem:s25+$0xFFFFFF20]  }
0x8c: {  	v20 =	vld [tilespmem:s25+$0xFFFFFF30]  }
0x8d: {  	v27 =	vld [tilespmem:s25+$0xFFFFFF40]  }
0x8e: {  	v10 =	vld [tilespmem:s25+$0xFFFFFF50]  }
0x8f: {  	v11 =	vld [tilespmem:s25+$0xFFFFFF60]  }
0x90: {  	v28 =	vld [tilespmem:s25+$0xFFFFFE90]  }
0x91: {  	v29 =	vld [tilespmem:s25+$0xFFFFFEA0]  }
0x92: {  	v30 =	vld [tilespmem:s25+$0xFFFFFE10]  }
0x93: {  	v31 =	vld [tilespmem:s25+$0xFFFFFE20]  }
0x94: {  	v32 =	vld [tilespmem:s25+$0xFFFFFE30]  }
0x95: {  	v33 =	vld [tilespmem:s25+$0xFFFFFE40]  }
0x96: {  	v34 =	vld [tilespmem:s25+$0xFFFFFEB0]  }
0x97: {  	v35 =	vld [tilespmem:s25+$0xFFFFFEC0]  }
0x98: {  	v36 =	vld [tilespmem:s25+$0xFFFFFED0]  }
0x99: {  	v15 =	vadd.f32 v30, v15;
	v14 =	vadd.f32 v31, v14;
	v30 =	vld [tilespmem:s25+$0xFFFFFEE0]  }
0x9a: {  	v13 =	vadd.f32 v32, v13;
	v12 =	vadd.f32 v33, v12;
	v31 =	vld [tilespmem:s25+$0xFFFFFE50]  }
0x9b: {  	v15 =	vadd.f32 v28, v15;
	v14 =	vadd.f32 v29, v14;
	v32 =	vld [tilespmem:s25+$0xFFFFFE60]  }
0x9c: {  	v13 =	vadd.f32 v34, v13;
	v28 =	vld [tilespmem:s25+$0xFFFFFE70];
	v12 =	vadd.f32 v35, v12  }
0x9d: {  	s24 =	sadd.s32 $0x4, s24;
	v15 =	vadd.f32 v17, v15;
	v14 =	vadd.f32 v18, v14;
	v29 =	vld [tilespmem:s25+$0xFFFFFE80]  }
0x9e: {  	p1 =	slt.u32 s24, $0x60;
	v13 =	vadd.f32 v20, v13;
	v18 =	vld [tilespmem:s25+$0xFFFFFEF0];
	v12 =	vadd.f32 v27, v12  }
.Ltmp1:
0x9f: {  	v15 =	vadd.f32 v26, v15;
	v14 =	vadd.f32 v24, v14;
	v20 =	vld [tilespmem:s25+$0xFFFFFF00];
	(pc) =	sbr.rel @p1 .LBB2_5-.Ltmp1, $4  }
0xa0: {  	v13 =	vadd.f32 v22, v13;
	v17 =	vld [tilespmem:s25+$0xFFFFFF70];
	v12 =	vadd.f32 v21, v12  }
0xa1: {  	v22 =	vadd.f32 v31, v23;
	v23 =	vadd.f32 v32, v25;
	v21 =	vld [tilespmem:s25+$0xFFFFFF80]  }
0xa2: {  	v24 =	vadd.f32 v28, v16;
	v25 =	vadd.f32 v29, v19;
	v16 =	vld [tilespmem:s25+$0xFFFFFFF0]  }
0xa3: {  	v22 =	vadd.f32 v36, v22;
	v23 =	vadd.f32 v30, v23;
	v19 =	vld [tilespmem:s25+$0x0];
	s25 =	sadd.s32 $0x200, s25  }
0xa4: {  	v18 =	vadd.f32 v18, v24;
	v20 =	vadd.f32 v20, v25;
	s24 =	sadd.s32 @!p0 $0x280, s23  }
0xa5: {  	s25 =	simm.s32 @!p0 $0x30;
	s26 =	simm.s32 @!p0 $0xB400;
	v3 =	vadd.f32 v15, v3;
	s30 =	sshll.u32 s22, $0x8;
	v2 =	vadd.f32 v14, v2  }
0xa6: {  	v1 =	vadd.f32 v13, v1;
	v10 =	vadd.f32 v10, v22;
	[tilespmem:s26], [sflag:$0x2] =	stream.indirect.gather @!p0 [hbm4b:s2+s25], $0x80, s24, s25, $0xb8;
	[tilespmem:$0x19000] =	vst v63  }
0xa7: {  	v0 =	vadd.f32 v12, v0;
	v11 =	vadd.f32 v11, v23;
	s24 =	sand.u32 $0x3FFFFF00, s30  }
0xa8: {  	v17 =	vadd.f32 v17, v18;
	[tilespmem:s24+$0x15000] =	vst v3;
	v6 =	vadd.f32 v6, v10  }
0xa9: {  	v15 =	vadd.f32 v21, v20;
	[tilespmem:s24+$0x15010] =	vst v2;
	v3 =	vadd.f32 v7, v11  }
0xaa: {  	[tilespmem:s24+$0x15020] =	vst v1;
	v2 =	vadd.f32 v16, v17;
	v6 =	vadd.f32 v6, v9  }
0xab: {  	[tilespmem:s24+$0x15030] =	vst v0;
	v1 =	vadd.f32 v19, v15;
	v3 =	vadd.f32 v3, v5  }
0xac: {  	v0 =	vadd.f32 v2, v8;
	[tilespmem:s24+$0x15040] =	vst v6  }
0xad: {  	v1 =	vadd.f32 v1, v4;
	[tilespmem:s24+$0x15050] =	vst v3  }
0xae: {  	[tilespmem:s24+$0x15060] =	vst v0  }
0xaf: {  	[tilespmem:s24+$0x15070] =	vst v1  }
0xb0: {  	_ =	swait.ge [sflag:s18], $0x1800  }
0xb1: {  	[sflag:s18] =	ssyncset.done $0x0  }
0xb2: {  	s31 =	simm.s32 $0xE800;
	[sflag:s18] =	ssyncadd.s32 $0xFFFFE800  }
0xb3: {  	v0 =	vld [tilespmem:s31+$0x180]  }
0xb4: {  	v1 =	vld [tilespmem:s31+$0x190]  }
0xb5: {  	v6 =	vld [tilespmem:s31+$0x1A0]  }
0xb6: {  	v7 =	vld [tilespmem:s31+$0x1B0]  }
0xb7: {  	v4 =	vld [tilespmem:s31+$0x1C0]  }
0xb8: {  	v5 =	vld [tilespmem:s31+$0x1D0]  }
0xb9: {  	v2 =	vld [tilespmem:s31+$0x100]  }
0xba: {  	v3 =	vld [tilespmem:s31+$0x110]  }
0xbb: {  	v10 =	vld [tilespmem:s31+$0x120]  }
0xbc: {  	v11 =	vld [tilespmem:s31+$0x130]  }
0xbd: {  	v8 =	vld [tilespmem:s31+$0x140]  }
0xbe: {  	v9 =	vld [tilespmem:s31+$0x150]  }
0xbf: {  	v12 =	vld [tilespmem:s31+$0x80]  }
0xc0: {  	v13 =	vld [tilespmem:s31+$0x90]  }
0xc1: {  	v14 =	vld [tilespmem:s31+$0x0]  }
0xc2: {  	v15 =	vld [tilespmem:s31+$0x10]  }
0xc3: {  	v16 =	vld [tilespmem:s31+$0x20]  }
0xc4: {  	v17 =	vld [tilespmem:s31+$0x30]  }
0xc5: {  	v18 =	vld [tilespmem:s31+$0xA0]  }
0xc6: {  	v19 =	vld [tilespmem:s31+$0xB0]  }
0xc7: {  	v20 =	vimm.f32 $0.0e+00;
	v21 =	vld [tilespmem:s31+$0xC0]  }
0xc8: {  	v22 =	vld [tilespmem:s31+$0xD0];
	v14 =	vadd.f32 v14, v20;
	v15 =	vadd.f32 v15, v20  }
0xc9: {  	v23 =	vld [tilespmem:s31+$0x40];
	v16 =	vadd.f32 v16, v20;
	v17 =	vadd.f32 v17, v20  }
0xca: {  	v63 =	vld [tilespmem:s31+$0x50];
	v12 =	vadd.f32 v12, v14;
	v13 =	vadd.f32 v13, v15  }
0xcb: {  	v14 =	vld [tilespmem:s31+$0x60];
	v15 =	vadd.f32 v18, v16;
	v16 =	vadd.f32 v19, v17  }
0xcc: {  	v17 =	vld [tilespmem:s31+$0x70];
	v2 =	vadd.f32 v2, v12;
	v13 =	vadd.f32 v3, v13  }
0xcd: {  	v12 =	vld [tilespmem:s31+$0xE0];
	v10 =	vadd.f32 v10, v15;
	v11 =	vadd.f32 v11, v16  }
0xce: {  	v15 =	vld [tilespmem:s31+$0xF0];
	v3 =	vadd.f32 v0, v2;
	v2 =	vadd.f32 v1, v13  }
0xcf: {  	v16 =	vld [tilespmem:s31+$0x170];
	v1 =	vadd.f32 v6, v10;
	v0 =	vadd.f32 v7, v11  }
0xd0: {  	v13 =	vld [tilespmem:s31+$0x160];
	v6 =	vadd.f32 v23, v20;
	v7 =	vadd.f32 v63, v20  }
0xd1: {  	v18 =	vadd.f32 v14, v20;
	v19 =	vadd.f32 v17, v20;
	v14 =	vld [tilespmem:s31+$0x1E0]  }
0xd2: {  	s25 =	simm.s32 $0x0;
	s26 =	simm.s32 $0xEA00;
	v17 =	vld [tilespmem:s31+$0x1F0];
	v20 =	vadd.f32 v21, v6;
	v21 =	vadd.f32 v22, v7  }
.LBB2_7:
0xd3: {  	v6 =	vld [tilespmem:s26+$0x180];
	v7 =	vadd.f32 v12, v18;
	v10 =	vadd.f32 v15, v19  }
0xd4: {  	v11 =	vld [tilespmem:s26+$0x190];
	v8 =	vadd.f32 v8, v20;
	v9 =	vadd.f32 v9, v21  }
0xd5: {  	v18 =	vld [tilespmem:s26+$0x1A0];
	v7 =	vadd.f32 v13, v7;
	v10 =	vadd.f32 v16, v10  }
0xd6: {  	v16 =	vld [tilespmem:s26+$0x1B0];
	v19 =	vadd.f32 v4, v8;
	v20 =	vadd.f32 v5, v9  }
0xd7: {  	v4 =	vld [tilespmem:s26+$0x1C0];
	v7 =	vadd.f32 v14, v7;
	v10 =	vadd.f32 v17, v10  }
0xd8: {  	v5 =	vld [tilespmem:s26+$0x1D0]  }
0xd9: {  	v12 =	vld [tilespmem:s26+$0x100]  }
0xda: {  	v13 =	vld [tilespmem:s26+$0x110]  }
0xdb: {  	v14 =	vld [tilespmem:s26+$0x120]  }
0xdc: {  	v15 =	vld [tilespmem:s26+$0x130]  }
0xdd: {  	v8 =	vld [tilespmem:s26+$0x140]  }
0xde: {  	v9 =	vld [tilespmem:s26+$0x150]  }
0xdf: {  	v17 =	vld [tilespmem:s26+$0x80]  }
0xe0: {  	v21 =	vld [tilespmem:s26+$0x90]  }
0xe1: {  	v22 =	vld [tilespmem:s26+$0x0]  }
0xe2: {  	v23 =	vld [tilespmem:s26+$0x10]  }
0xe3: {  	v24 =	vld [tilespmem:s26+$0x20]  }
0xe4: {  	v25 =	vld [tilespmem:s26+$0x30]  }
0xe5: {  	v26 =	vld [tilespmem:s26+$0xA0]  }
0xe6: {  	v27 =	vld [tilespmem:s26+$0xB0]  }
0xe7: {  	v28 =	vld [tilespmem:s26+$0xC0]  }
0xe8: {  	v3 =	vadd.f32 v22, v3;
	v2 =	vadd.f32 v23, v2;
	v22 =	vld [tilespmem:s26+$0xD0]  }
0xe9: {  	v1 =	vadd.f32 v24, v1;
	v0 =	vadd.f32 v25, v0;
	v23 =	vld [tilespmem:s26+$0x40]  }
0xea: {  	v3 =	vadd.f32 v17, v3;
	v2 =	vadd.f32 v21, v2;
	v24 =	vld [tilespmem:s26+$0x50]  }
0xeb: {  	v1 =	vadd.f32 v26, v1;
	v17 =	vld [tilespmem:s26+$0x60];
	v0 =	vadd.f32 v27, v0  }
0xec: {  	s25 =	sadd.s32 $0x4, s25;
	v3 =	vadd.f32 v12, v3;
	v2 =	vadd.f32 v13, v2;
	v21 =	vld [tilespmem:s26+$0x70]  }
0xed: {  	p1 =	slt.u32 s25, $0x60;
	v1 =	vadd.f32 v14, v1;
	v12 =	vld [tilespmem:s26+$0xE0];
	v0 =	vadd.f32 v15, v0  }
.Ltmp2:
0xee: {  	v3 =	vadd.f32 v6, v3;
	v2 =	vadd.f32 v11, v2;
	v15 =	vld [tilespmem:s26+$0xF0];
	(pc) =	sbr.rel @p1 .LBB2_7-.Ltmp2, $4  }
0xef: {  	v1 =	vadd.f32 v18, v1;
	v13 =	vld [tilespmem:s26+$0x160];
	v0 =	vadd.f32 v16, v0  }
0xf0: {  	v6 =	vadd.f32 v23, v19;
	v11 =	vadd.f32 v24, v20;
	v16 =	vld [tilespmem:s26+$0x170]  }
0xf1: {  	v18 =	vadd.f32 v17, v7;
	v19 =	vadd.f32 v21, v10;
	v14 =	vld [tilespmem:s26+$0x1E0]  }
0xf2: {  	v20 =	vadd.f32 v28, v6;
	v21 =	vadd.f32 v22, v11;
	v17 =	vld [tilespmem:s26+$0x1F0];
	s26 =	sadd.s32 $0x200, s26  }
0xf3: {  	s25 =	sadd.s32 @!p0 $0x300, s23;
	s26 =	simm.s32 @!p0 $0x30;
	s28 =	simm.s32 @!p0 $0xE800  }
0xf4: {  	[tilespmem:s28], [sflag:$0x3] =	stream.indirect.gather @!p0 [hbm4b:s2+s26], $0x80, s25, s26, $0xb8;
	[tilespmem:$0x19000] =	vst v63  }
0xf5: {  	_ =	swait.ge [sflag:s19], $0x1800  }
0xf6: {  	[sflag:s19] =	ssyncset.done $0x0  }
0xf7: {  	s31 =	simm.s32 $0x11C00;
	[sflag:s19] =	ssyncadd.s32 $0xFFFFE800  }
0xf8: {  	v22 =	vld [tilespmem:s31+$0x180]  }
0xf9: {  	v23 =	vld [tilespmem:s31+$0x190]  }
0xfa: {  	v24 =	vld [tilespmem:s31+$0x1A0]  }
0xfb: {  	v25 =	vld [tilespmem:s31+$0x1B0]  }
0xfc: {  	v6 =	vld [tilespmem:s31+$0x1C0]  }
0xfd: {  	v7 =	vld [tilespmem:s31+$0x1D0]  }
0xfe: {  	v26 =	vld [tilespmem:s31+$0x100]  }
0xff: {  	v27 =	vld [tilespmem:s31+$0x110]  }
0x100: {  	v28 =	vld [tilespmem:s31+$0x120]  }
0x101: {  	v29 =	vld [tilespmem:s31+$0x130]  }
0x102: {  	v10 =	vld [tilespmem:s31+$0x140]  }
0x103: {  	v11 =	vld [tilespmem:s31+$0x150]  }
0x104: {  	v30 =	vld [tilespmem:s31+$0x80]  }
0x105: {  	v31 =	vld [tilespmem:s31+$0x90]  }
0x106: {  	v32 =	vld [tilespmem:s31+$0x0]  }
0x107: {  	v33 =	vld [tilespmem:s31+$0x10]  }
0x108: {  	v12 =	vadd.f32 v12, v18;
	v15 =	vadd.f32 v15, v19;
	v18 =	vld [tilespmem:s31+$0x20]  }
0x109: {  	v8 =	vadd.f32 v8, v20;
	v19 =	vadd.f32 v9, v21;
	v20 =	vld [tilespmem:s31+$0x30]  }
0x10a: {  	v12 =	vadd.f32 v13, v12;
	v13 =	vadd.f32 v16, v15;
	v15 =	vld [tilespmem:s31+$0xA0]  }
0x10b: {  	v9 =	vadd.f32 v4, v8;
	v5 =	vadd.f32 v5, v19;
	v16 =	vld [tilespmem:s31+$0xB0]  }
0x10c: {  	v19 =	vimm.f32 $0.0e+00;
	v8 =	vadd.f32 v14, v12;
	v4 =	vadd.f32 v17, v13;
	v34 =	vld [tilespmem:s31+$0xC0]  }
0x10d: {  	v61 =	vld [tilespmem:s31+$0xD0];
	v12 =	vadd.f32 v32, v19;
	v13 =	vadd.f32 v33, v19  }
0x10e: {  	v21 =	vld [tilespmem:s31+$0x40];
	v14 =	vadd.f32 v18, v19;
	v17 =	vadd.f32 v20, v19  }
0x10f: {  	v62 =	vld [tilespmem:s31+$0x50];
	v12 =	vadd.f32 v30, v12;
	v13 =	vadd.f32 v31, v13  }
0x110: {  	v63 =	vld [tilespmem:s31+$0x60];
	v14 =	vadd.f32 v15, v14;
	v15 =	vadd.f32 v16, v17  }
0x111: {  	v16 =	vld [tilespmem:s31+$0x70];
	v12 =	vadd.f32 v26, v12;
	v13 =	vadd.f32 v27, v13  }
0x112: {  	v20 =	vld [tilespmem:s31+$0xF0];
	v26 =	vadd.f32 v28, v14;
	v27 =	vadd.f32 v29, v15  }
0x113: {  	v17 =	vld [tilespmem:s31+$0xE0];
	v15 =	vadd.f32 v22, v12;
	v14 =	vadd.f32 v23, v13  }
0x114: {  	v18 =	vld [tilespmem:s31+$0x160];
	v13 =	vadd.f32 v24, v26;
	v12 =	vadd.f32 v25, v27  }
0x115: {  	v24 =	vadd.f32 v21, v19;
	v25 =	vadd.f32 v62, v19;
	v21 =	vld [tilespmem:s31+$0x170]  }
0x116: {  	v22 =	vadd.f32 v63, v19;
	v23 =	vadd.f32 v16, v19;
	v16 =	vld [tilespmem:s31+$0x1E0]  }
0x117: {  	s25 =	simm.s32 $0x0;
	s26 =	simm.s32 $0x11E00;
	v19 =	vld [tilespmem:s31+$0x1F0];
	v24 =	vadd.f32 v34, v24;
	v25 =	vadd.f32 v61, v25  }
.LBB2_9:
0x118: {  	v26 =	vld [tilespmem:s26+$0x180];
	v17 =	vadd.f32 v17, v22;
	v20 =	vadd.f32 v20, v23  }
0x119: {  	v22 =	vld [tilespmem:s26+$0x190];
	v10 =	vadd.f32 v10, v24;
	v11 =	vadd.f32 v11, v25  }
0x11a: {  	v23 =	vld [tilespmem:s26+$0x1A0];
	v17 =	vadd.f32 v18, v17;
	v18 =	vadd.f32 v21, v20  }
0x11b: {  	v21 =	vld [tilespmem:s26+$0x1B0];
	v24 =	vadd.f32 v6, v10;
	v25 =	vadd.f32 v7, v11  }
0x11c: {  	v6 =	vld [tilespmem:s26+$0x1C0];
	v16 =	vadd.f32 v16, v17;
	v19 =	vadd.f32 v19, v18  }
0x11d: {  	v7 =	vld [tilespmem:s26+$0x1D0]  }
0x11e: {  	v17 =	vld [tilespmem:s26+$0x100]  }
0x11f: {  	v18 =	vld [tilespmem:s26+$0x110]  }
0x120: {  	v20 =	vld [tilespmem:s26+$0x120]  }
0x121: {  	v27 =	vld [tilespmem:s26+$0x130]  }
0x122: {  	v10 =	vld [tilespmem:s26+$0x140]  }
0x123: {  	v11 =	vld [tilespmem:s26+$0x150]  }
0x124: {  	v28 =	vld [tilespmem:s26+$0x80]  }
0x125: {  	v29 =	vld [tilespmem:s26+$0x90]  }
0x126: {  	v30 =	vld [tilespmem:s26+$0x0]  }
0x127: {  	v31 =	vld [tilespmem:s26+$0x10]  }
0x128: {  	v32 =	vld [tilespmem:s26+$0x20]  }
0x129: {  	v33 =	vld [tilespmem:s26+$0x30]  }
0x12a: {  	v34 =	vld [tilespmem:s26+$0xA0]  }
0x12b: {  	v35 =	vld [tilespmem:s26+$0xB0]  }
0x12c: {  	v36 =	vld [tilespmem:s26+$0xC0]  }
0x12d: {  	v15 =	vadd.f32 v30, v15;
	v14 =	vadd.f32 v31, v14;
	v30 =	vld [tilespmem:s26+$0xD0]  }
0x12e: {  	v13 =	vadd.f32 v32, v13;
	v12 =	vadd.f32 v33, v12;
	v31 =	vld [tilespmem:s26+$0x40]  }
0x12f: {  	v15 =	vadd.f32 v28, v15;
	v14 =	vadd.f32 v29, v14;
	v32 =	vld [tilespmem:s26+$0x50]  }
0x130: {  	v13 =	vadd.f32 v34, v13;
	v28 =	vld [tilespmem:s26+$0x60];
	v12 =	vadd.f32 v35, v12  }
0x131: {  	s25 =	sadd.s32 $0x4, s25;
	v15 =	vadd.f32 v17, v15;
	v14 =	vadd.f32 v18, v14;
	v29 =	vld [tilespmem:s26+$0x70]  }
0x132: {  	p1 =	slt.u32 s25, $0x60;
	v13 =	vadd.f32 v20, v13;
	v17 =	vld [tilespmem:s26+$0xE0];
	v12 =	vadd.f32 v27, v12  }
.Ltmp3:
0x133: {  	v15 =	vadd.f32 v26, v15;
	v14 =	vadd.f32 v22, v14;
	v20 =	vld [tilespmem:s26+$0xF0];
	(pc) =	sbr.rel @p1 .LBB2_9-.Ltmp3, $4  }
0x134: {  	v13 =	vadd.f32 v23, v13;
	v18 =	vld [tilespmem:s26+$0x160];
	v12 =	vadd.f32 v21, v12  }
0x135: {  	v24 =	vadd.f32 v31, v24;
	v25 =	vadd.f32 v32, v25;
	v21 =	vld [tilespmem:s26+$0x170]  }
0x136: {  	v22 =	vadd.f32 v28, v16;
	v23 =	vadd.f32 v29, v19;
	v16 =	vld [tilespmem:s26+$0x1E0]  }
0x137: {  	v24 =	vadd.f32 v36, v24;
	v25 =	vadd.f32 v30, v25;
	v19 =	vld [tilespmem:s26+$0x1F0];
	s26 =	sadd.s32 $0x200, s26  }
0x138: {  	v17 =	vadd.f32 v17, v22;
	v20 =	vadd.f32 v20, v23  }
0x139: {  	v3 =	vadd.f32 v15, v3;
	v2 =	vadd.f32 v14, v2  }
0x13a: {  	s23 =	sadd.s32 @!p0 $0x380, s23;
	s25 =	simm.s32 @!p0 $0x30;
	s26 =	simm.s32 @!p0 $0x11C00;
	v1 =	vadd.f32 v13, v1;
	v10 =	vadd.f32 v10, v24  }
0x13b: {  	v0 =	vadd.f32 v12, v0;
	v11 =	vadd.f32 v11, v25;
	[tilespmem:s26], [sflag:$0x4] =	stream.indirect.gather @!p0 [hbm4b:s2+s25], $0x80, s23, s25, $0xb8;
	[tilespmem:$0x19000] =	vst v63  }
0x13c: {  	v17 =	vadd.f32 v18, v17;
	[tilespmem:s24+$0x15080] =	vst v3;
	v6 =	vadd.f32 v6, v10  }
0x13d: {  	s22 =	sadd.s32 $0x1, s22;
	v59 =	vadd.f32 v21, v20;
	[tilespmem:s24+$0x15090] =	vst v2;
	v60 =	vadd.f32 v7, v11  }
0x13e: {  	p0 =	sne.s32 s22, $0x40;
	[tilespmem:s24+$0x150A0] =	vst v1;
	v61 =	vadd.f32 v16, v17;
	v6 =	vadd.f32 v6, v9  }
.Ltmp4:
0x13f: {  	[tilespmem:s24+$0x150B0] =	vst v0;
	v62 =	vadd.f32 v19, v59;
	v3 =	vadd.f32 v60, v5;
	(pc) =	sbr.rel @p0 .LBB2_2-.Ltmp4, $4  }
0x140: {  	v63 =	vadd.f32 v61, v8;
	[tilespmem:s24+$0x150C0] =	vst v6  }
0x141: {  	v1 =	vadd.f32 v62, v4;
	[tilespmem:s24+$0x150D0] =	vst v3  }
0x142: {  	[tilespmem:s24+$0x150E0] =	vst v63  }
0x143: {  	[tilespmem:s24+$0x150F0] =	vst v1  }
0x144: {  	s21 =	sadd.s32 $0x1, s21  }
0x145: {  	p0 =	sne.s32 s21, s6  }
.Ltmp5:
0x146: {  	_ = 	snop;
	(pc) =	sbr.rel @p0 .LBB2_1-.Ltmp5, $4  }
0x147: {  	[hbm4b:s5+s3] =	stream.linear.scatter [tilespmem:s20], [sflag:$0x5], $0x4000, $0x38;
	[tilespmem:$0x19000] =	vst v63  }
0x148: {  	_ =	swait.ge [sflag:s7], $0x4000  }
0x149: {  	[sflag:s7] =	ssyncset.done $0x0  }
0x14a: {  	[sflag:s7] =	ssyncadd.s32 $0xFFFFC000  }
0x14b: {  	_ =	sfence.sel $0x180000  }
0x14c: {  	[bflag:$0x0] =	sbarrier.arrive $0xFFFF  }
0x14d: {  	p0 =	sne.s32 s1, $0x0;
	_ =	strace $0x90000047  }
0x14e: {  	s0 =	sadd.s32 @!p0 $0x100000, s0;
	[bflag:$0x2] =	sbarrier.arrive $0xFFFF  }
0x14f: {  	[sflag:s0] =	ssyncadd.tile.s32 @!p0 $0x1;
	_ =	shalt  }
.Lfunc_end2:
_tile_overlayer_lowered:
.L_overlay_start_2:
0x150: {  	(tag) =	ssettag $0x2  }
0x151: {  	s0 =	rddreg [dreg:$0x0];
	s2 =	stileid.u32  }
0x152: {  	s1 =	rddreg [dreg:$0x1];
	p0 =	sne.s32 s2, $0x0  }
0x153: {  	s3 =	rddreg [dreg:$0x2];
	[bflag:$0x3] =	sbarrier.arrive $0xFFFF;
	s2 =	simm.s32 @!p0 $0x1C05  }
0x154: {  	[timem:s3], [sflag:s2] =	dma.local @!p0 [hbm:s0], s1  }
0x155: {  	s0 =	simm.s32 @!p0 $0x5  }
0x156: {  	_ =	swait.ge @!p0 [sflag:s0], s1  }
0x157: {  	s1 =	ssub.s32 @!p0 $0x0, s1;
	[sflag:s0] =	ssyncset.done @!p0 $0x0  }
0x158: {  	[sflag:s0] =	ssyncadd.s32 @!p0 s1  }
0x159: {  	[bflag:$0x3] =	sbarrier.arrive $0xFFFF  }
0x15a: {  	_ =	shalt  }

</sc_bundles>
